<compile_context>
chip_gen: v7x
topology: tpu7x:2x2x1
jax: 0.10.2.dev20260603
libtpu: 0.0.44.dev20260713+nightly
codegen_flags: <defaults>
</compile_context>

<pallas_src>
import functools

import jax
import jax.numpy as jnp
from jax import lax
from jax.experimental import pallas as pl
from jax.experimental.pallas import tpu as pltpu
from jax.experimental.pallas import tpu_sc as plsc

_CAT = (1000, 100000, 1000, 48, 2)
_EMB = (4, 21, 1, 1, 2)
_OFF = (0, 4, 25, 26, 27)
_SMALL = ((0, 0), (2, 25), (3, 26), (4, 27))
_DOUT = 29
_B = 16384
_NC, _NS, _L = 2, 16, 16
_NW = _NC * _NS
_BPW = _B // _NW
_W1P = 128

_mesh = plsc.VectorSubcoreMesh(
    core_axis_name="c", subcore_axis_name="s", num_cores=_NC, num_subcores=_NS
)


@functools.partial(
    pl.kernel,
    out_type=jax.ShapeDtypeStruct((_B, _DOUT), jnp.float32),
    mesh=_mesh,
    scratch_types=[
        pltpu.VMEM((4, _BPW), jnp.int32),
        pltpu.VMEM((_BPW,), jnp.int32),
        pltpu.VMEM((_BPW, _W1P), jnp.float32),
        pltpu.VMEM((_BPW, _DOUT), jnp.float32),
        pltpu.VMEM((_CAT[0], _EMB[0]), jnp.float32),
        pltpu.VMEM((_CAT[2], _EMB[2]), jnp.float32),
        pltpu.VMEM((_CAT[3], _EMB[3]), jnp.float32),
        pltpu.VMEM((_CAT[4], _EMB[4]), jnp.float32),
        pltpu.SemaphoreType.DMA,
    ],
    compiler_params=pltpu.CompilerParams(
        needs_layout_passes=False, use_tc_tiling_on_sc=False),
)
def _emb_kernel(xt_hbm, t0_hbm, t1_hbm, t2_hbm, t3_hbm, t4_hbm, out_hbm,
                xi_v, idx1_v, rows1_v, out_v, t0_v, t2_v, t3_v, t4_v, sem):
    wid = lax.axis_index("s") * _NC + lax.axis_index("c")
    base = wid * _BPW

    pltpu.sync_copy(xt_hbm.at[1, pl.ds(base, _BPW)], idx1_v)
    for r, (t, _) in enumerate(_SMALL):
        pltpu.sync_copy(xt_hbm.at[t, pl.ds(base, _BPW)], xi_v.at[r])

    copies = [pltpu.async_copy(t1_hbm.at[idx1_v], rows1_v, sem)]

    pltpu.sync_copy(t0_hbm, t0_v)
    pltpu.sync_copy(t2_hbm, t2_v)
    pltpu.sync_copy(t3_hbm, t3_v)
    pltpu.sync_copy(t4_hbm, t4_v)

    iota = lax.iota(jnp.int32, _L)
    tv = {0: t0_v, 2: t2_v, 3: t3_v, 4: t4_v}

    def small_body(i, carry):
        rows = iota + i * _L
        for r, (t, off) in enumerate(_SMALL):
            cidx = jnp.clip(xi_v[r, pl.ds(i * _L, _L)], 0, _CAT[t] - 1)
            for jj in range(_EMB[t]):
                v = plsc.load_gather(tv[t], [cidx, jnp.full((_L,), jj, jnp.int32)])
                plsc.store_scatter(
                    out_v, [rows, jnp.full((_L,), off + jj, jnp.int32)], v)
        return carry

    lax.fori_loop(0, _BPW // _L, small_body, 0)

    for cp in copies:
        cp.wait()

    def shuffle_body(i, carry):
        rows = iota + i * _L
        for c in range(_EMB[1]):
            v = plsc.load_gather(rows1_v, [rows, jnp.full((_L,), c, jnp.int32)])
            plsc.store_scatter(
                out_v, [rows, jnp.full((_L,), _OFF[1] + c, jnp.int32)], v)
        return carry

    lax.fori_loop(0, _BPW // _L, shuffle_body, 0)

    pltpu.sync_copy(out_v, out_hbm.at[pl.ds(base, _BPW), :])


def kernel(x, table_0, table_1, table_2, table_3, table_4):
    xt = jnp.transpose(x.astype(jnp.int32))
    t1p = jnp.pad(table_1, ((0, 0), (0, _W1P - _EMB[1])))
    return _emb_kernel(xt, table_0, t1p, table_2, table_3, table_4)

# --- scband reference (transcript-rebuilt; emitter-appended) ---
"""Pipeline reference for scband-embedding-layer-78383153152459 (READ-ONLY COPY).

The authoritative reference and input builder live on the scoring server;
editing this copy changes nothing except your own understanding.
"""

import jax, jax.numpy as jnp
import numpy as np

CAT_DIMS = [1000, 100000, 1000, 48, 2]
EMB_DIMS = [4, 21, 1, 1, 2]
BATCH = 16384

def setup_inputs(seed: int = 0) -> dict:
    key = jax.random.key(seed)
    ks = jax.random.split(key, 6)
    x = jax.random.randint(ks[0], (BATCH, 5), 0, 100000, dtype=jnp.int32)
    inputs = {"x": x}
    for i in range(5):
        inputs[f"table_{i}"] = jax.random.normal(ks[i + 1], (CAT_DIMS[i], EMB_DIMS[i]), dtype=jnp.float32)
    return inputs


def reference(x, table_0, table_1, table_2, table_3, table_4):
    tables = [table_0, table_1, table_2, table_3, table_4]
    embedded = []
    for i in range(5):
        val = x[:, i].astype(jnp.int32)
        val = jnp.clip(val, 0, CAT_DIMS[i] - 1)
        emb = jnp.take(tables[i], val, axis=0)
        embedded.append(emb)
    out = jnp.concatenate(embedded, axis=1)
    return out

if __name__ == "__main__":
    import jax
    _d = setup_inputs()
    print(jax.jit(kernel)(*tuple(_d.values())))

</pallas_src>

<mosaic_0001>
#map = affine_map<(d0, d1) -> (0, 0)>
module attributes {stable_mosaic.version = 14 : i64} {
  func.func @_emb_kernel(%arg0: i32, %arg1: i32, %arg2: memref<5x16384xi32, #tpu.memory_space<hbm>>, %arg3: memref<1000x4xf32, #tpu.memory_space<hbm>>, %arg4: memref<100000x128xf32, #tpu.memory_space<hbm>>, %arg5: memref<1000x1xf32, #tpu.memory_space<hbm>>, %arg6: memref<48x1xf32, #tpu.memory_space<hbm>>, %arg7: memref<2x2xf32, #tpu.memory_space<hbm>>, %arg8: memref<16384x29xf32, #tpu.memory_space<hbm>>, %arg9: memref<4x512xi32, #tpu.memory_space<vmem>>, %arg10: memref<512xi32, #tpu.memory_space<vmem>>, %arg11: memref<512x128xf32, #tpu.memory_space<vmem>>, %arg12: memref<512x29xf32, #tpu.memory_space<vmem>>, %arg13: memref<1000x4xf32, #tpu.memory_space<vmem>>, %arg14: memref<1000x1xf32, #tpu.memory_space<vmem>>, %arg15: memref<48x1xf32, #tpu.memory_space<vmem>>, %arg16: memref<2x2xf32, #tpu.memory_space<vmem>>, %arg17: memref<!tpu.dma_semaphore, #tpu.memory_space<semaphore_mem>>) attributes {dimension_semantics = [#tpu.dimension_semantics<core_parallel>, #tpu.dimension_semantics<subcore_parallel>], iteration_bounds = array<i64: 2, 16>, scalar_prefetch = 0 : i64, scratch_operands = 9 : i64, tpu.core_type = #tpu.core_type<sc_vector_subcore>, window_params = [{transform_indices = #map}, {transform_indices = #map}, {transform_indices = #map}, {transform_indices = #map}, {transform_indices = #map}, {transform_indices = #map}, {transform_indices = #map}]} {
    %mul3A = arith.constant 2 : i32
    %mul3A_0 = arith.muli %arg1, %mul3A : i32
    %add3A = arith.addi %mul3A_0, %arg0 : i32
    %mul3A_1 = arith.constant 512 : i32
    %mul3A_2 = arith.muli %add3A, %mul3A_1 : i32
    %run_scoped3A = arith.constant 1 : i32
    "tpu.region"() ({
      %run_scoped3A_26 = tpu.sem_alloc : memref<!tpu.dma_semaphore, #tpu.memory_space<semaphore_mem>>
      %dma_start3A_27 = tpu.memref_slice %arg2[%run_scoped3A, %mul3A_2] : memref<5x16384xi32, #tpu.memory_space<hbm>> -> memref<1x512xi32, #tpu.memory_space<hbm>>
      %dma_start3A_28 = tpu.memref_squeeze %dma_start3A_27 : memref<1x512xi32, #tpu.memory_space<hbm>> -> memref<512xi32, #tpu.memory_space<hbm>>
      %dma_start3A_29 = tpu.memref_slice %arg2[%run_scoped3A, %mul3A_2] : memref<5x16384xi32, #tpu.memory_space<hbm>> -> memref<1x512xi32, #tpu.memory_space<hbm>>
      %dma_start3A_30 = tpu.memref_squeeze %dma_start3A_29 : memref<1x512xi32, #tpu.memory_space<hbm>> -> memref<512xi32, #tpu.memory_space<hbm>>
      tpu.enqueue_dma source(%dma_start3A_30 : memref<512xi32, #tpu.memory_space<hbm>>) target(%arg10 : memref<512xi32, #tpu.memory_space<vmem>>) target_semaphore(%run_scoped3A_26 : memref<!tpu.dma_semaphore, #tpu.memory_space<semaphore_mem>>)
      %dma_wait3A_31 = tpu.memref_slice %arg2[%run_scoped3A, %mul3A_2] : memref<5x16384xi32, #tpu.memory_space<hbm>> -> memref<1x512xi32, #tpu.memory_space<hbm>>
      %dma_wait3A_32 = tpu.memref_squeeze %dma_wait3A_31 : memref<1x512xi32, #tpu.memory_space<hbm>> -> memref<512xi32, #tpu.memory_space<hbm>>
      %dma_wait3A_33 = tpu.memref_slice %arg2[%run_scoped3A, %mul3A_2] : memref<5x16384xi32, #tpu.memory_space<hbm>> -> memref<1x512xi32, #tpu.memory_space<hbm>>
      %dma_wait3A_34 = tpu.memref_squeeze %dma_wait3A_33 : memref<1x512xi32, #tpu.memory_space<hbm>> -> memref<512xi32, #tpu.memory_space<hbm>>
      tpu.wait_dma2 semaphore(%run_scoped3A_26 : memref<!tpu.dma_semaphore, #tpu.memory_space<semaphore_mem>>) src(%dma_wait3A_34 : memref<512xi32, #tpu.memory_space<hbm>>) dst(%arg10 : memref<512xi32, #tpu.memory_space<vmem>>)
      tpu.yield
    }) : () -> ()
    %run_scoped3A_3 = arith.constant 0 : i32
    %run_scoped3A_4 = arith.constant 0 : i32
    "tpu.region"() ({
      %run_scoped3A_26 = tpu.sem_alloc : memref<!tpu.dma_semaphore, #tpu.memory_space<semaphore_mem>>
      %dma_start3A_27 = arith.constant 0 : i32
      %dma_start3A_28 = tpu.memref_slice %arg9[%run_scoped3A_4, %dma_start3A_27] : memref<4x512xi32, #tpu.memory_space<vmem>> -> memref<1x512xi32, #tpu.memory_space<vmem>>
      %dma_start3A_29 = tpu.memref_squeeze %dma_start3A_28 : memref<1x512xi32, #tpu.memory_space<vmem>> -> memref<512xi32, #tpu.memory_space<vmem>>
      %dma_start3A_30 = tpu.memref_slice %arg2[%run_scoped3A_3, %mul3A_2] : memref<5x16384xi32, #tpu.memory_space<hbm>> -> memref<1x512xi32, #tpu.memory_space<hbm>>
      %dma_start3A_31 = tpu.memref_squeeze %dma_start3A_30 : memref<1x512xi32, #tpu.memory_space<hbm>> -> memref<512xi32, #tpu.memory_space<hbm>>
      %dma_start3A_32 = arith.constant 0 : i32
      %dma_start3A_33 = tpu.memref_slice %arg9[%run_scoped3A_4, %dma_start3A_32] : memref<4x512xi32, #tpu.memory_space<vmem>> -> memref<1x512xi32, #tpu.memory_space<vmem>>
      %dma_start3A_34 = tpu.memref_squeeze %dma_start3A_33 : memref<1x512xi32, #tpu.memory_space<vmem>> -> memref<512xi32, #tpu.memory_space<vmem>>
      %dma_start3A_35 = tpu.memref_slice %arg2[%run_scoped3A_3, %mul3A_2] : memref<5x16384xi32, #tpu.memory_space<hbm>> -> memref<1x512xi32, #tpu.memory_space<hbm>>
      %dma_start3A_36 = tpu.memref_squeeze %dma_start3A_35 : memref<1x512xi32, #tpu.memory_space<hbm>> -> memref<512xi32, #tpu.memory_space<hbm>>
      tpu.enqueue_dma source(%dma_start3A_36 : memref<512xi32, #tpu.memory_space<hbm>>) target(%dma_start3A_34 : memref<512xi32, #tpu.memory_space<vmem>>) target_semaphore(%run_scoped3A_26 : memref<!tpu.dma_semaphore, #tpu.memory_space<semaphore_mem>>)
      %dma_wait3A_37 = arith.constant 0 : i32
      %dma_wait3A_38 = tpu.memref_slice %arg9[%run_scoped3A_4, %dma_wait3A_37] : memref<4x512xi32, #tpu.memory_space<vmem>> -> memref<1x512xi32, #tpu.memory_space<vmem>>
      %dma_wait3A_39 = tpu.memref_squeeze %dma_wait3A_38 : memref<1x512xi32, #tpu.memory_space<vmem>> -> memref<512xi32, #tpu.memory_space<vmem>>
      %dma_wait3A_40 = tpu.memref_slice %arg2[%run_scoped3A_3, %mul3A_2] : memref<5x16384xi32, #tpu.memory_space<hbm>> -> memref<1x512xi32, #tpu.memory_space<hbm>>
      %dma_wait3A_41 = tpu.memref_squeeze %dma_wait3A_40 : memref<1x512xi32, #tpu.memory_space<hbm>> -> memref<512xi32, #tpu.memory_space<hbm>>
      %dma_wait3A_42 = arith.constant 0 : i32
      %dma_wait3A_43 = tpu.memref_slice %arg9[%run_scoped3A_4, %dma_wait3A_42] : memref<4x512xi32, #tpu.memory_space<vmem>> -> memref<1x512xi32, #tpu.memory_space<vmem>>
      %dma_wait3A_44 = tpu.memref_squeeze %dma_wait3A_43 : memref<1x512xi32, #tpu.memory_space<vmem>> -> memref<512xi32, #tpu.memory_space<vmem>>
      %dma_wait3A_45 = tpu.memref_slice %arg2[%run_scoped3A_3, %mul3A_2] : memref<5x16384xi32, #tpu.memory_space<hbm>> -> memref<1x512xi32, #tpu.memory_space<hbm>>
      %dma_wait3A_46 = tpu.memref_squeeze %dma_wait3A_45 : memref<1x512xi32, #tpu.memory_space<hbm>> -> memref<512xi32, #tpu.memory_space<hbm>>
      tpu.wait_dma2 semaphore(%run_scoped3A_26 : memref<!tpu.dma_semaphore, #tpu.memory_space<semaphore_mem>>) src(%dma_wait3A_46 : memref<512xi32, #tpu.memory_space<hbm>>) dst(%dma_wait3A_44 : memref<512xi32, #tpu.memory_space<vmem>>)
      tpu.yield
    }) : () -> ()
    %run_scoped3A_5 = arith.constant 2 : i32
    %run_scoped3A_6 = arith.constant 1 : i32
    "tpu.region"() ({
      %run_scoped3A_26 = tpu.sem_alloc : memref<!tpu.dma_semaphore, #tpu.memory_space<semaphore_mem>>
      %dma_start3A_27 = arith.constant 0 : i32
      %dma_start3A_28 = tpu.memref_slice %arg9[%run_scoped3A_6, %dma_start3A_27] : memref<4x512xi32, #tpu.memory_space<vmem>> -> memref<1x512xi32, #tpu.memory_space<vmem>>
      %dma_start3A_29 = tpu.memref_squeeze %dma_start3A_28 : memref<1x512xi32, #tpu.memory_space<vmem>> -> memref<512xi32, #tpu.memory_space<vmem>>
      %dma_start3A_30 = tpu.memref_slice %arg2[%run_scoped3A_5, %mul3A_2] : memref<5x16384xi32, #tpu.memory_space<hbm>> -> memref<1x512xi32, #tpu.memory_space<hbm>>
      %dma_start3A_31 = tpu.memref_squeeze %dma_start3A_30 : memref<1x512xi32, #tpu.memory_space<hbm>> -> memref<512xi32, #tpu.memory_space<hbm>>
      %dma_start3A_32 = arith.constant 0 : i32
      %dma_start3A_33 = tpu.memref_slice %arg9[%run_scoped3A_6, %dma_start3A_32] : memref<4x512xi32, #tpu.memory_space<vmem>> -> memref<1x512xi32, #tpu.memory_space<vmem>>
      %dma_start3A_34 = tpu.memref_squeeze %dma_start3A_33 : memref<1x512xi32, #tpu.memory_space<vmem>> -> memref<512xi32, #tpu.memory_space<vmem>>
      %dma_start3A_35 = tpu.memref_slice %arg2[%run_scoped3A_5, %mul3A_2] : memref<5x16384xi32, #tpu.memory_space<hbm>> -> memref<1x512xi32, #tpu.memory_space<hbm>>
      %dma_start3A_36 = tpu.memref_squeeze %dma_start3A_35 : memref<1x512xi32, #tpu.memory_space<hbm>> -> memref<512xi32, #tpu.memory_space<hbm>>
      tpu.enqueue_dma source(%dma_start3A_36 : memref<512xi32, #tpu.memory_space<hbm>>) target(%dma_start3A_34 : memref<512xi32, #tpu.memory_space<vmem>>) target_semaphore(%run_scoped3A_26 : memref<!tpu.dma_semaphore, #tpu.memory_space<semaphore_mem>>)
      %dma_wait3A_37 = arith.constant 0 : i32
      %dma_wait3A_38 = tpu.memref_slice %arg9[%run_scoped3A_6, %dma_wait3A_37] : memref<4x512xi32, #tpu.memory_space<vmem>> -> memref<1x512xi32, #tpu.memory_space<vmem>>
      %dma_wait3A_39 = tpu.memref_squeeze %dma_wait3A_38 : memref<1x512xi32, #tpu.memory_space<vmem>> -> memref<512xi32, #tpu.memory_space<vmem>>
      %dma_wait3A_40 = tpu.memref_slice %arg2[%run_scoped3A_5, %mul3A_2] : memref<5x16384xi32, #tpu.memory_space<hbm>> -> memref<1x512xi32, #tpu.memory_space<hbm>>
      %dma_wait3A_41 = tpu.memref_squeeze %dma_wait3A_40 : memref<1x512xi32, #tpu.memory_space<hbm>> -> memref<512xi32, #tpu.memory_space<hbm>>
      %dma_wait3A_42 = arith.constant 0 : i32
      %dma_wait3A_43 = tpu.memref_slice %arg9[%run_scoped3A_6, %dma_wait3A_42] : memref<4x512xi32, #tpu.memory_space<vmem>> -> memref<1x512xi32, #tpu.memory_space<vmem>>
      %dma_wait3A_44 = tpu.memref_squeeze %dma_wait3A_43 : memref<1x512xi32, #tpu.memory_space<vmem>> -> memref<512xi32, #tpu.memory_space<vmem>>
      %dma_wait3A_45 = tpu.memref_slice %arg2[%run_scoped3A_5, %mul3A_2] : memref<5x16384xi32, #tpu.memory_space<hbm>> -> memref<1x512xi32, #tpu.memory_space<hbm>>
      %dma_wait3A_46 = tpu.memref_squeeze %dma_wait3A_45 : memref<1x512xi32, #tpu.memory_space<hbm>> -> memref<512xi32, #tpu.memory_space<hbm>>
      tpu.wait_dma2 semaphore(%run_scoped3A_26 : memref<!tpu.dma_semaphore, #tpu.memory_space<semaphore_mem>>) src(%dma_wait3A_46 : memref<512xi32, #tpu.memory_space<hbm>>) dst(%dma_wait3A_44 : memref<512xi32, #tpu.memory_space<vmem>>)
      tpu.yield
    }) : () -> ()
    %run_scoped3A_7 = arith.constant 3 : i32
    %run_scoped3A_8 = arith.constant 2 : i32
    "tpu.region"() ({
      %run_scoped3A_26 = tpu.sem_alloc : memref<!tpu.dma_semaphore, #tpu.memory_space<semaphore_mem>>
      %dma_start3A_27 = arith.constant 0 : i32
      %dma_start3A_28 = tpu.memref_slice %arg9[%run_scoped3A_8, %dma_start3A_27] : memref<4x512xi32, #tpu.memory_space<vmem>> -> memref<1x512xi32, #tpu.memory_space<vmem>>
      %dma_start3A_29 = tpu.memref_squeeze %dma_start3A_28 : memref<1x512xi32, #tpu.memory_space<vmem>> -> memref<512xi32, #tpu.memory_space<vmem>>
      %dma_start3A_30 = tpu.memref_slice %arg2[%run_scoped3A_7, %mul3A_2] : memref<5x16384xi32, #tpu.memory_space<hbm>> -> memref<1x512xi32, #tpu.memory_space<hbm>>
      %dma_start3A_31 = tpu.memref_squeeze %dma_start3A_30 : memref<1x512xi32, #tpu.memory_space<hbm>> -> memref<512xi32, #tpu.memory_space<hbm>>
      %dma_start3A_32 = arith.constant 0 : i32
      %dma_start3A_33 = tpu.memref_slice %arg9[%run_scoped3A_8, %dma_start3A_32] : memref<4x512xi32, #tpu.memory_space<vmem>> -> memref<1x512xi32, #tpu.memory_space<vmem>>
      %dma_start3A_34 = tpu.memref_squeeze %dma_start3A_33 : memref<1x512xi32, #tpu.memory_space<vmem>> -> memref<512xi32, #tpu.memory_space<vmem>>
      %dma_start3A_35 = tpu.memref_slice %arg2[%run_scoped3A_7, %mul3A_2] : memref<5x16384xi32, #tpu.memory_space<hbm>> -> memref<1x512xi32, #tpu.memory_space<hbm>>
      %dma_start3A_36 = tpu.memref_squeeze %dma_start3A_35 : memref<1x512xi32, #tpu.memory_space<hbm>> -> memref<512xi32, #tpu.memory_space<hbm>>
      tpu.enqueue_dma source(%dma_start3A_36 : memref<512xi32, #tpu.memory_space<hbm>>) target(%dma_start3A_34 : memref<512xi32, #tpu.memory_space<vmem>>) target_semaphore(%run_scoped3A_26 : memref<!tpu.dma_semaphore, #tpu.memory_space<semaphore_mem>>)
      %dma_wait3A_37 = arith.constant 0 : i32
      %dma_wait3A_38 = tpu.memref_slice %arg9[%run_scoped3A_8, %dma_wait3A_37] : memref<4x512xi32, #tpu.memory_space<vmem>> -> memref<1x512xi32, #tpu.memory_space<vmem>>
      %dma_wait3A_39 = tpu.memref_squeeze %dma_wait3A_38 : memref<1x512xi32, #tpu.memory_space<vmem>> -> memref<512xi32, #tpu.memory_space<vmem>>
      %dma_wait3A_40 = tpu.memref_slice %arg2[%run_scoped3A_7, %mul3A_2] : memref<5x16384xi32, #tpu.memory_space<hbm>> -> memref<1x512xi32, #tpu.memory_space<hbm>>
      %dma_wait3A_41 = tpu.memref_squeeze %dma_wait3A_40 : memref<1x512xi32, #tpu.memory_space<hbm>> -> memref<512xi32, #tpu.memory_space<hbm>>
      %dma_wait3A_42 = arith.constant 0 : i32
      %dma_wait3A_43 = tpu.memref_slice %arg9[%run_scoped3A_8, %dma_wait3A_42] : memref<4x512xi32, #tpu.memory_space<vmem>> -> memref<1x512xi32, #tpu.memory_space<vmem>>
      %dma_wait3A_44 = tpu.memref_squeeze %dma_wait3A_43 : memref<1x512xi32, #tpu.memory_space<vmem>> -> memref<512xi32, #tpu.memory_space<vmem>>
      %dma_wait3A_45 = tpu.memref_slice %arg2[%run_scoped3A_7, %mul3A_2] : memref<5x16384xi32, #tpu.memory_space<hbm>> -> memref<1x512xi32, #tpu.memory_space<hbm>>
      %dma_wait3A_46 = tpu.memref_squeeze %dma_wait3A_45 : memref<1x512xi32, #tpu.memory_space<hbm>> -> memref<512xi32, #tpu.memory_space<hbm>>
      tpu.wait_dma2 semaphore(%run_scoped3A_26 : memref<!tpu.dma_semaphore, #tpu.memory_space<semaphore_mem>>) src(%dma_wait3A_46 : memref<512xi32, #tpu.memory_space<hbm>>) dst(%dma_wait3A_44 : memref<512xi32, #tpu.memory_space<vmem>>)
      tpu.yield
    }) : () -> ()
    %run_scoped3A_9 = arith.constant 4 : i32
    %run_scoped3A_10 = arith.constant 3 : i32
    "tpu.region"() ({
      %run_scoped3A_26 = tpu.sem_alloc : memref<!tpu.dma_semaphore, #tpu.memory_space<semaphore_mem>>
      %dma_start3A_27 = arith.constant 0 : i32
      %dma_start3A_28 = tpu.memref_slice %arg9[%run_scoped3A_10, %dma_start3A_27] : memref<4x512xi32, #tpu.memory_space<vmem>> -> memref<1x512xi32, #tpu.memory_space<vmem>>
      %dma_start3A_29 = tpu.memref_squeeze %dma_start3A_28 : memref<1x512xi32, #tpu.memory_space<vmem>> -> memref<512xi32, #tpu.memory_space<vmem>>
      %dma_start3A_30 = tpu.memref_slice %arg2[%run_scoped3A_9, %mul3A_2] : memref<5x16384xi32, #tpu.memory_space<hbm>> -> memref<1x512xi32, #tpu.memory_space<hbm>>
      %dma_start3A_31 = tpu.memref_squeeze %dma_start3A_30 : memref<1x512xi32, #tpu.memory_space<hbm>> -> memref<512xi32, #tpu.memory_space<hbm>>
      %dma_start3A_32 = arith.constant 0 : i32
      %dma_start3A_33 = tpu.memref_slice %arg9[%run_scoped3A_10, %dma_start3A_32] : memref<4x512xi32, #tpu.memory_space<vmem>> -> memref<1x512xi32, #tpu.memory_space<vmem>>
      %dma_start3A_34 = tpu.memref_squeeze %dma_start3A_33 : memref<1x512xi32, #tpu.memory_space<vmem>> -> memref<512xi32, #tpu.memory_space<vmem>>
      %dma_start3A_35 = tpu.memref_slice %arg2[%run_scoped3A_9, %mul3A_2] : memref<5x16384xi32, #tpu.memory_space<hbm>> -> memref<1x512xi32, #tpu.memory_space<hbm>>
      %dma_start3A_36 = tpu.memref_squeeze %dma_start3A_35 : memref<1x512xi32, #tpu.memory_space<hbm>> -> memref<512xi32, #tpu.memory_space<hbm>>
      tpu.enqueue_dma source(%dma_start3A_36 : memref<512xi32, #tpu.memory_space<hbm>>) target(%dma_start3A_34 : memref<512xi32, #tpu.memory_space<vmem>>) target_semaphore(%run_scoped3A_26 : memref<!tpu.dma_semaphore, #tpu.memory_space<semaphore_mem>>)
      %dma_wait3A_37 = arith.constant 0 : i32
      %dma_wait3A_38 = tpu.memref_slice %arg9[%run_scoped3A_10, %dma_wait3A_37] : memref<4x512xi32, #tpu.memory_space<vmem>> -> memref<1x512xi32, #tpu.memory_space<vmem>>
      %dma_wait3A_39 = tpu.memref_squeeze %dma_wait3A_38 : memref<1x512xi32, #tpu.memory_space<vmem>> -> memref<512xi32, #tpu.memory_space<vmem>>
      %dma_wait3A_40 = tpu.memref_slice %arg2[%run_scoped3A_9, %mul3A_2] : memref<5x16384xi32, #tpu.memory_space<hbm>> -> memref<1x512xi32, #tpu.memory_space<hbm>>
      %dma_wait3A_41 = tpu.memref_squeeze %dma_wait3A_40 : memref<1x512xi32, #tpu.memory_space<hbm>> -> memref<512xi32, #tpu.memory_space<hbm>>
      %dma_wait3A_42 = arith.constant 0 : i32
      %dma_wait3A_43 = tpu.memref_slice %arg9[%run_scoped3A_10, %dma_wait3A_42] : memref<4x512xi32, #tpu.memory_space<vmem>> -> memref<1x512xi32, #tpu.memory_space<vmem>>
      %dma_wait3A_44 = tpu.memref_squeeze %dma_wait3A_43 : memref<1x512xi32, #tpu.memory_space<vmem>> -> memref<512xi32, #tpu.memory_space<vmem>>
      %dma_wait3A_45 = tpu.memref_slice %arg2[%run_scoped3A_9, %mul3A_2] : memref<5x16384xi32, #tpu.memory_space<hbm>> -> memref<1x512xi32, #tpu.memory_space<hbm>>
      %dma_wait3A_46 = tpu.memref_squeeze %dma_wait3A_45 : memref<1x512xi32, #tpu.memory_space<hbm>> -> memref<512xi32, #tpu.memory_space<hbm>>
      tpu.wait_dma2 semaphore(%run_scoped3A_26 : memref<!tpu.dma_semaphore, #tpu.memory_space<semaphore_mem>>) src(%dma_wait3A_46 : memref<512xi32, #tpu.memory_space<hbm>>) dst(%dma_wait3A_44 : memref<512xi32, #tpu.memory_space<vmem>>)
      tpu.yield
    }) : () -> ()
    %dma_start3A = arith.constant 0 : i32
    %dma_start3A_11 = arith.constant 0 : i32
    %dma_start3A_12 = tpu.memref_slice %arg4[%dma_start3A, %dma_start3A_11] : memref<100000x128xf32, #tpu.memory_space<hbm>> -> memref<100000x128xf32, #tpu.memory_space<hbm>>
    tpu.enqueue_indirect_dma source(%dma_start3A_12 : memref<100000x128xf32, #tpu.memory_space<hbm>>) target(%arg11 : memref<512x128xf32, #tpu.memory_space<vmem>>) offsets(%arg10 : memref<512xi32, #tpu.memory_space<vmem>>) semaphore(%arg17 : memref<!tpu.dma_semaphore, #tpu.memory_space<semaphore_mem>>)
    "tpu.region"() ({
      %run_scoped3A_26 = tpu.sem_alloc : memref<!tpu.dma_semaphore, #tpu.memory_space<semaphore_mem>>
      tpu.enqueue_dma source(%arg3 : memref<1000x4xf32, #tpu.memory_space<hbm>>) target(%arg13 : memref<1000x4xf32, #tpu.memory_space<vmem>>) target_semaphore(%run_scoped3A_26 : memref<!tpu.dma_semaphore, #tpu.memory_space<semaphore_mem>>)
      tpu.wait_dma2 semaphore(%run_scoped3A_26 : memref<!tpu.dma_semaphore, #tpu.memory_space<semaphore_mem>>) src(%arg3 : memref<1000x4xf32, #tpu.memory_space<hbm>>) dst(%arg13 : memref<1000x4xf32, #tpu.memory_space<vmem>>)
      tpu.yield
    }) : () -> ()
    "tpu.region"() ({
      %run_scoped3A_26 = tpu.sem_alloc : memref<!tpu.dma_semaphore, #tpu.memory_space<semaphore_mem>>
      tpu.enqueue_dma source(%arg5 : memref<1000x1xf32, #tpu.memory_space<hbm>>) target(%arg14 : memref<1000x1xf32, #tpu.memory_space<vmem>>) target_semaphore(%run_scoped3A_26 : memref<!tpu.dma_semaphore, #tpu.memory_space<semaphore_mem>>)
      tpu.wait_dma2 semaphore(%run_scoped3A_26 : memref<!tpu.dma_semaphore, #tpu.memory_space<semaphore_mem>>) src(%arg5 : memref<1000x1xf32, #tpu.memory_space<hbm>>) dst(%arg14 : memref<1000x1xf32, #tpu.memory_space<vmem>>)
      tpu.yield
    }) : () -> ()
    "tpu.region"() ({
      %run_scoped3A_26 = tpu.sem_alloc : memref<!tpu.dma_semaphore, #tpu.memory_space<semaphore_mem>>
      tpu.enqueue_dma source(%arg6 : memref<48x1xf32, #tpu.memory_space<hbm>>) target(%arg15 : memref<48x1xf32, #tpu.memory_space<vmem>>) target_semaphore(%run_scoped3A_26 : memref<!tpu.dma_semaphore, #tpu.memory_space<semaphore_mem>>)
      tpu.wait_dma2 semaphore(%run_scoped3A_26 : memref<!tpu.dma_semaphore, #tpu.memory_space<semaphore_mem>>) src(%arg6 : memref<48x1xf32, #tpu.memory_space<hbm>>) dst(%arg15 : memref<48x1xf32, #tpu.memory_space<vmem>>)
      tpu.yield
    }) : () -> ()
    "tpu.region"() ({
      %run_scoped3A_26 = tpu.sem_alloc : memref<!tpu.dma_semaphore, #tpu.memory_space<semaphore_mem>>
      tpu.enqueue_dma source(%arg7 : memref<2x2xf32, #tpu.memory_space<hbm>>) target(%arg16 : memref<2x2xf32, #tpu.memory_space<vmem>>) target_semaphore(%run_scoped3A_26 : memref<!tpu.dma_semaphore, #tpu.memory_space<semaphore_mem>>)
      tpu.wait_dma2 semaphore(%run_scoped3A_26 : memref<!tpu.dma_semaphore, #tpu.memory_space<semaphore_mem>>) src(%arg7 : memref<2x2xf32, #tpu.memory_space<hbm>>) dst(%arg16 : memref<2x2xf32, #tpu.memory_space<vmem>>)
      tpu.yield
    }) : () -> ()
    %iota3A = tpu.iota {dimensions = array<i32: 0>} : vector<16xi32>
    %scan3A = arith.constant 0 : i32
    %scan3A_13 = arith.constant 0 : i32
    %scan3A_14 = arith.constant 32 : i32
    %scan3A_15 = arith.addi %scan3A_13, %scan3A_14 : i32
    %scan3A_16 = arith.constant 1 : i32
    scf.for %scan3A_26 = %scan3A_13 to %scan3A_15 step %scan3A_16  : i32 {
      %mul3A_27 = arith.constant 16 : i32
      %mul3A_28 = arith.muli %scan3A_26, %mul3A_27 : i32
      %add3A_29 = vector.broadcast %mul3A_28 : i32 to vector<16xi32>
      %add3A_30 = arith.addi %iota3A, %add3A_29 : vector<16xi32>
      %mul3A_31 = arith.constant 16 : i32
      %mul3A_32 = arith.muli %scan3A_26, %mul3A_31 : i32
      %get3A = arith.constant 0 : i32
      %get3A_33 = arith.index_cast %get3A : i32 to index
      %get3A_34 = arith.index_cast %mul3A_32 : i32 to index
      %get3A_35 = tpu.vector_load %arg9[%get3A_33, %get3A_34] {strides = array<i32>} : memref<4x512xi32, #tpu.memory_space<vmem>>, vector<16xi32>,
      %jit3A = arith.constant 0 : i32
      %jit3A_36 = arith.constant 999 : i32
      %max3A = vector.broadcast %jit3A : i32 to vector<16xi32>
      %max3A_37 = arith.maxsi %max3A, %get3A_35 : vector<16xi32>
      %min3A = vector.broadcast %jit3A_36 : i32 to vector<16xi32>
      %min3A_38 = arith.minsi %min3A, %max3A_37 : vector<16xi32>
      %broadcast_in_dim3A = arith.constant 0 : i32
      %broadcast_in_dim3A_39 = vector.broadcast %broadcast_in_dim3A : i32 to vector<16xi32>
      %gather3A = tpu.vector_load_idx %arg13[%min3A_38, %broadcast_in_dim3A_39] : memref<1000x4xf32, #tpu.memory_space<vmem>>[vector<16xi32>, vector<16xi32>], vector<16xf32>,
      %broadcast_in_dim3A_40 = arith.constant 0 : i32
      %broadcast_in_dim3A_41 = vector.broadcast %broadcast_in_dim3A_40 : i32 to vector<16xi32>
      tpu.vector_store_idx %arg12[%add3A_30, %broadcast_in_dim3A_41], %gather3A : memref<512x29xf32, #tpu.memory_space<vmem>>[vector<16xi32>, vector<16xi32>], vector<16xf32>,
      %broadcast_in_dim3A_42 = arith.constant 1 : i32
      %broadcast_in_dim3A_43 = vector.broadcast %broadcast_in_dim3A_42 : i32 to vector<16xi32>
      %gather3A_44 = tpu.vector_load_idx %arg13[%min3A_38, %broadcast_in_dim3A_43] : memref<1000x4xf32, #tpu.memory_space<vmem>>[vector<16xi32>, vector<16xi32>], vector<16xf32>,
      %broadcast_in_dim3A_45 = arith.constant 1 : i32
      %broadcast_in_dim3A_46 = vector.broadcast %broadcast_in_dim3A_45 : i32 to vector<16xi32>
      tpu.vector_store_idx %arg12[%add3A_30, %broadcast_in_dim3A_46], %gather3A_44 : memref<512x29xf32, #tpu.memory_space<vmem>>[vector<16xi32>, vector<16xi32>], vector<16xf32>,
      %broadcast_in_dim3A_47 = arith.constant 2 : i32
      %broadcast_in_dim3A_48 = vector.broadcast %broadcast_in_dim3A_47 : i32 to vector<16xi32>
      %gather3A_49 = tpu.vector_load_idx %arg13[%min3A_38, %broadcast_in_dim3A_48] : memref<1000x4xf32, #tpu.memory_space<vmem>>[vector<16xi32>, vector<16xi32>], vector<16xf32>,
      %broadcast_in_dim3A_50 = arith.constant 2 : i32
      %broadcast_in_dim3A_51 = vector.broadcast %broadcast_in_dim3A_50 : i32 to vector<16xi32>
      tpu.vector_store_idx %arg12[%add3A_30, %broadcast_in_dim3A_51], %gather3A_49 : memref<512x29xf32, #tpu.memory_space<vmem>>[vector<16xi32>, vector<16xi32>], vector<16xf32>,
      %broadcast_in_dim3A_52 = arith.constant 3 : i32
      %broadcast_in_dim3A_53 = vector.broadcast %broadcast_in_dim3A_52 : i32 to vector<16xi32>
      %gather3A_54 = tpu.vector_load_idx %arg13[%min3A_38, %broadcast_in_dim3A_53] : memref<1000x4xf32, #tpu.memory_space<vmem>>[vector<16xi32>, vector<16xi32>], vector<16xf32>,
      %broadcast_in_dim3A_55 = arith.constant 3 : i32
      %broadcast_in_dim3A_56 = vector.broadcast %broadcast_in_dim3A_55 : i32 to vector<16xi32>
      tpu.vector_store_idx %arg12[%add3A_30, %broadcast_in_dim3A_56], %gather3A_54 : memref<512x29xf32, #tpu.memory_space<vmem>>[vector<16xi32>, vector<16xi32>], vector<16xf32>,
      %mul3A_57 = arith.constant 16 : i32
      %mul3A_58 = arith.muli %scan3A_26, %mul3A_57 : i32
      %get3A_59 = arith.constant 1 : i32
      %get3A_60 = arith.index_cast %get3A_59 : i32 to index
      %get3A_61 = arith.index_cast %mul3A_58 : i32 to index
      %get3A_62 = tpu.vector_load %arg9[%get3A_60, %get3A_61] {strides = array<i32>} : memref<4x512xi32, #tpu.memory_space<vmem>>, vector<16xi32>,
      %jit3A_63 = arith.constant 0 : i32
      %jit3A_64 = arith.constant 999 : i32
      %max3A_65 = vector.broadcast %jit3A_63 : i32 to vector<16xi32>
      %max3A_66 = arith.maxsi %max3A_65, %get3A_62 : vector<16xi32>
      %min3A_67 = vector.broadcast %jit3A_64 : i32 to vector<16xi32>
      %min3A_68 = arith.minsi %min3A_67, %max3A_66 : vector<16xi32>
      %broadcast_in_dim3A_69 = arith.constant 0 : i32
      %broadcast_in_dim3A_70 = vector.broadcast %broadcast_in_dim3A_69 : i32 to vector<16xi32>
      %gather3A_71 = tpu.vector_load_idx %arg14[%min3A_68, %broadcast_in_dim3A_70] : memref<1000x1xf32, #tpu.memory_space<vmem>>[vector<16xi32>, vector<16xi32>], vector<16xf32>,
      %broadcast_in_dim3A_72 = arith.constant 25 : i32
      %broadcast_in_dim3A_73 = vector.broadcast %broadcast_in_dim3A_72 : i32 to vector<16xi32>
      tpu.vector_store_idx %arg12[%add3A_30, %broadcast_in_dim3A_73], %gather3A_71 : memref<512x29xf32, #tpu.memory_space<vmem>>[vector<16xi32>, vector<16xi32>], vector<16xf32>,
      %mul3A_74 = arith.constant 16 : i32
      %mul3A_75 = arith.muli %scan3A_26, %mul3A_74 : i32
      %get3A_76 = arith.constant 2 : i32
      %get3A_77 = arith.index_cast %get3A_76 : i32 to index
      %get3A_78 = arith.index_cast %mul3A_75 : i32 to index
      %get3A_79 = tpu.vector_load %arg9[%get3A_77, %get3A_78] {strides = array<i32>} : memref<4x512xi32, #tpu.memory_space<vmem>>, vector<16xi32>,
      %jit3A_80 = arith.constant 0 : i32
      %jit3A_81 = arith.constant 47 : i32
      %max3A_82 = vector.broadcast %jit3A_80 : i32 to vector<16xi32>
      %max3A_83 = arith.maxsi %max3A_82, %get3A_79 : vector<16xi32>
      %min3A_84 = vector.broadcast %jit3A_81 : i32 to vector<16xi32>
      %min3A_85 = arith.minsi %min3A_84, %max3A_83 : vector<16xi32>
      %broadcast_in_dim3A_86 = arith.constant 0 : i32
      %broadcast_in_dim3A_87 = vector.broadcast %broadcast_in_dim3A_86 : i32 to vector<16xi32>
      %gather3A_88 = tpu.vector_load_idx %arg15[%min3A_85, %broadcast_in_dim3A_87] : memref<48x1xf32, #tpu.memory_space<vmem>>[vector<16xi32>, vector<16xi32>], vector<16xf32>,
      %broadcast_in_dim3A_89 = arith.constant 26 : i32
      %broadcast_in_dim3A_90 = vector.broadcast %broadcast_in_dim3A_89 : i32 to vector<16xi32>
      tpu.vector_store_idx %arg12[%add3A_30, %broadcast_in_dim3A_90], %gather3A_88 : memref<512x29xf32, #tpu.memory_space<vmem>>[vector<16xi32>, vector<16xi32>], vector<16xf32>,
      %mul3A_91 = arith.constant 16 : i32
      %mul3A_92 = arith.muli %scan3A_26, %mul3A_91 : i32
      %get3A_93 = arith.constant 3 : i32
      %get3A_94 = arith.index_cast %get3A_93 : i32 to index
      %get3A_95 = arith.index_cast %mul3A_92 : i32 to index
      %get3A_96 = tpu.vector_load %arg9[%get3A_94, %get3A_95] {strides = array<i32>} : memref<4x512xi32, #tpu.memory_space<vmem>>, vector<16xi32>,
      %jit3A_97 = arith.constant 0 : i32
      %jit3A_98 = arith.constant 1 : i32
      %max3A_99 = vector.broadcast %jit3A_97 : i32 to vector<16xi32>
      %max3A_100 = arith.maxsi %max3A_99, %get3A_96 : vector<16xi32>
      %min3A_101 = vector.broadcast %jit3A_98 : i32 to vector<16xi32>
      %min3A_102 = arith.minsi %min3A_101, %max3A_100 : vector<16xi32>
      %broadcast_in_dim3A_103 = arith.constant 0 : i32
      %broadcast_in_dim3A_104 = vector.broadcast %broadcast_in_dim3A_103 : i32 to vector<16xi32>
      %gather3A_105 = tpu.vector_load_idx %arg16[%min3A_102, %broadcast_in_dim3A_104] : memref<2x2xf32, #tpu.memory_space<vmem>>[vector<16xi32>, vector<16xi32>], vector<16xf32>,
      %broadcast_in_dim3A_106 = arith.constant 27 : i32
      %broadcast_in_dim3A_107 = vector.broadcast %broadcast_in_dim3A_106 : i32 to vector<16xi32>
      tpu.vector_store_idx %arg12[%add3A_30, %broadcast_in_dim3A_107], %gather3A_105 : memref<512x29xf32, #tpu.memory_space<vmem>>[vector<16xi32>, vector<16xi32>], vector<16xf32>,
      %broadcast_in_dim3A_108 = arith.constant 1 : i32
      %broadcast_in_dim3A_109 = vector.broadcast %broadcast_in_dim3A_108 : i32 to vector<16xi32>
      %gather3A_110 = tpu.vector_load_idx %arg16[%min3A_102, %broadcast_in_dim3A_109] : memref<2x2xf32, #tpu.memory_space<vmem>>[vector<16xi32>, vector<16xi32>], vector<16xf32>,
      %broadcast_in_dim3A_111 = arith.constant 28 : i32
      %broadcast_in_dim3A_112 = vector.broadcast %broadcast_in_dim3A_111 : i32 to vector<16xi32>
      tpu.vector_store_idx %arg12[%add3A_30, %broadcast_in_dim3A_112], %gather3A_110 : memref<512x29xf32, #tpu.memory_space<vmem>>[vector<16xi32>, vector<16xi32>], vector<16xf32>,
    }
    %scan3A_17 = arith.constant 32 : i32
    %dma_wait3A = arith.constant 0 : i32
    %dma_wait3A_18 = arith.constant 0 : i32
    %dma_wait3A_19 = tpu.memref_slice %arg4[%dma_wait3A, %dma_wait3A_18] : memref<100000x128xf32, #tpu.memory_space<hbm>> -> memref<100000x128xf32, #tpu.memory_space<hbm>>
    tpu.wait_indirect_dma semaphore(%arg17 : memref<!tpu.dma_semaphore, #tpu.memory_space<semaphore_mem>>) src(%dma_wait3A_19 : memref<100000x128xf32, #tpu.memory_space<hbm>>) dst(%arg11 : memref<512x128xf32, #tpu.memory_space<vmem>>)
    %scan3A_20 = arith.constant 0 : i32
    %scan3A_21 = arith.constant 0 : i32
    %scan3A_22 = arith.constant 32 : i32
    %scan3A_23 = arith.addi %scan3A_21, %scan3A_22 : i32
    %scan3A_24 = arith.constant 1 : i32
    scf.for %scan3A_26 = %scan3A_21 to %scan3A_23 step %scan3A_24  : i32 {
      %mul3A_27 = arith.constant 16 : i32
      %mul3A_28 = arith.muli %scan3A_26, %mul3A_27 : i32
      %add3A_29 = vector.broadcast %mul3A_28 : i32 to vector<16xi32>
      %add3A_30 = arith.addi %iota3A, %add3A_29 : vector<16xi32>
      %broadcast_in_dim3A = arith.constant 0 : i32
      %broadcast_in_dim3A_31 = vector.broadcast %broadcast_in_dim3A : i32 to vector<16xi32>
      %gather3A = tpu.vector_load_idx %arg11[%add3A_30, %broadcast_in_dim3A_31] : memref<512x128xf32, #tpu.memory_space<vmem>>[vector<16xi32>, vector<16xi32>], vector<16xf32>,
      %broadcast_in_dim3A_32 = arith.constant 4 : i32
      %broadcast_in_dim3A_33 = vector.broadcast %broadcast_in_dim3A_32 : i32 to vector<16xi32>
      tpu.vector_store_idx %arg12[%add3A_30, %broadcast_in_dim3A_33], %gather3A : memref<512x29xf32, #tpu.memory_space<vmem>>[vector<16xi32>, vector<16xi32>], vector<16xf32>,
      %broadcast_in_dim3A_34 = arith.constant 1 : i32
      %broadcast_in_dim3A_35 = vector.broadcast %broadcast_in_dim3A_34 : i32 to vector<16xi32>
      %gather3A_36 = tpu.vector_load_idx %arg11[%add3A_30, %broadcast_in_dim3A_35] : memref<512x128xf32, #tpu.memory_space<vmem>>[vector<16xi32>, vector<16xi32>], vector<16xf32>,
      %broadcast_in_dim3A_37 = arith.constant 5 : i32
      %broadcast_in_dim3A_38 = vector.broadcast %broadcast_in_dim3A_37 : i32 to vector<16xi32>
      tpu.vector_store_idx %arg12[%add3A_30, %broadcast_in_dim3A_38], %gather3A_36 : memref<512x29xf32, #tpu.memory_space<vmem>>[vector<16xi32>, vector<16xi32>], vector<16xf32>,
      %broadcast_in_dim3A_39 = arith.constant 2 : i32
      %broadcast_in_dim3A_40 = vector.broadcast %broadcast_in_dim3A_39 : i32 to vector<16xi32>
      %gather3A_41 = tpu.vector_load_idx %arg11[%add3A_30, %broadcast_in_dim3A_40] : memref<512x128xf32, #tpu.memory_space<vmem>>[vector<16xi32>, vector<16xi32>], vector<16xf32>,
      %broadcast_in_dim3A_42 = arith.constant 6 : i32
      %broadcast_in_dim3A_43 = vector.broadcast %broadcast_in_dim3A_42 : i32 to vector<16xi32>
      tpu.vector_store_idx %arg12[%add3A_30, %broadcast_in_dim3A_43], %gather3A_41 : memref<512x29xf32, #tpu.memory_space<vmem>>[vector<16xi32>, vector<16xi32>], vector<16xf32>,
      %broadcast_in_dim3A_44 = arith.constant 3 : i32
      %broadcast_in_dim3A_45 = vector.broadcast %broadcast_in_dim3A_44 : i32 to vector<16xi32>
      %gather3A_46 = tpu.vector_load_idx %arg11[%add3A_30, %broadcast_in_dim3A_45] : memref<512x128xf32, #tpu.memory_space<vmem>>[vector<16xi32>, vector<16xi32>], vector<16xf32>,
      %broadcast_in_dim3A_47 = arith.constant 7 : i32
      %broadcast_in_dim3A_48 = vector.broadcast %broadcast_in_dim3A_47 : i32 to vector<16xi32>
      tpu.vector_store_idx %arg12[%add3A_30, %broadcast_in_dim3A_48], %gather3A_46 : memref<512x29xf32, #tpu.memory_space<vmem>>[vector<16xi32>, vector<16xi32>], vector<16xf32>,
      %broadcast_in_dim3A_49 = arith.constant 4 : i32
      %broadcast_in_dim3A_50 = vector.broadcast %broadcast_in_dim3A_49 : i32 to vector<16xi32>
      %gather3A_51 = tpu.vector_load_idx %arg11[%add3A_30, %broadcast_in_dim3A_50] : memref<512x128xf32, #tpu.memory_space<vmem>>[vector<16xi32>, vector<16xi32>], vector<16xf32>,
      %broadcast_in_dim3A_52 = arith.constant 8 : i32
      %broadcast_in_dim3A_53 = vector.broadcast %broadcast_in_dim3A_52 : i32 to vector<16xi32>
      tpu.vector_store_idx %arg12[%add3A_30, %broadcast_in_dim3A_53], %gather3A_51 : memref<512x29xf32, #tpu.memory_space<vmem>>[vector<16xi32>, vector<16xi32>], vector<16xf32>,
      %broadcast_in_dim3A_54 = arith.constant 5 : i32
      %broadcast_in_dim3A_55 = vector.broadcast %broadcast_in_dim3A_54 : i32 to vector<16xi32>
      %gather3A_56 = tpu.vector_load_idx %arg11[%add3A_30, %broadcast_in_dim3A_55] : memref<512x128xf32, #tpu.memory_space<vmem>>[vector<16xi32>, vector<16xi32>], vector<16xf32>,
      %broadcast_in_dim3A_57 = arith.constant 9 : i32
      %broadcast_in_dim3A_58 = vector.broadcast %broadcast_in_dim3A_57 : i32 to vector<16xi32>
      tpu.vector_store_idx %arg12[%add3A_30, %broadcast_in_dim3A_58], %gather3A_56 : memref<512x29xf32, #tpu.memory_space<vmem>>[vector<16xi32>, vector<16xi32>], vector<16xf32>,
      %broadcast_in_dim3A_59 = arith.constant 6 : i32
      %broadcast_in_dim3A_60 = vector.broadcast %broadcast_in_dim3A_59 : i32 to vector<16xi32>
      %gather3A_61 = tpu.vector_load_idx %arg11[%add3A_30, %broadcast_in_dim3A_60] : memref<512x128xf32, #tpu.memory_space<vmem>>[vector<16xi32>, vector<16xi32>], vector<16xf32>,
      %broadcast_in_dim3A_62 = arith.constant 10 : i32
      %broadcast_in_dim3A_63 = vector.broadcast %broadcast_in_dim3A_62 : i32 to vector<16xi32>
      tpu.vector_store_idx %arg12[%add3A_30, %broadcast_in_dim3A_63], %gather3A_61 : memref<512x29xf32, #tpu.memory_space<vmem>>[vector<16xi32>, vector<16xi32>], vector<16xf32>,
      %broadcast_in_dim3A_64 = arith.constant 7 : i32
      %broadcast_in_dim3A_65 = vector.broadcast %broadcast_in_dim3A_64 : i32 to vector<16xi32>
      %gather3A_66 = tpu.vector_load_idx %arg11[%add3A_30, %broadcast_in_dim3A_65] : memref<512x128xf32, #tpu.memory_space<vmem>>[vector<16xi32>, vector<16xi32>], vector<16xf32>,
      %broadcast_in_dim3A_67 = arith.constant 11 : i32
      %broadcast_in_dim3A_68 = vector.broadcast %broadcast_in_dim3A_67 : i32 to vector<16xi32>
      tpu.vector_store_idx %arg12[%add3A_30, %broadcast_in_dim3A_68], %gather3A_66 : memref<512x29xf32, #tpu.memory_space<vmem>>[vector<16xi32>, vector<16xi32>], vector<16xf32>,
      %broadcast_in_dim3A_69 = arith.constant 8 : i32
      %broadcast_in_dim3A_70 = vector.broadcast %broadcast_in_dim3A_69 : i32 to vector<16xi32>
      %gather3A_71 = tpu.vector_load_idx %arg11[%add3A_30, %broadcast_in_dim3A_70] : memref<512x128xf32, #tpu.memory_space<vmem>>[vector<16xi32>, vector<16xi32>], vector<16xf32>,
      %broadcast_in_dim3A_72 = arith.constant 12 : i32
      %broadcast_in_dim3A_73 = vector.broadcast %broadcast_in_dim3A_72 : i32 to vector<16xi32>
      tpu.vector_store_idx %arg12[%add3A_30, %broadcast_in_dim3A_73], %gather3A_71 : memref<512x29xf32, #tpu.memory_space<vmem>>[vector<16xi32>, vector<16xi32>], vector<16xf32>,
      %broadcast_in_dim3A_74 = arith.constant 9 : i32
      %broadcast_in_dim3A_75 = vector.broadcast %broadcast_in_dim3A_74 : i32 to vector<16xi32>
      %gather3A_76 = tpu.vector_load_idx %arg11[%add3A_30, %broadcast_in_dim3A_75] : memref<512x128xf32, #tpu.memory_space<vmem>>[vector<16xi32>, vector<16xi32>], vector<16xf32>,
      %broadcast_in_dim3A_77 = arith.constant 13 : i32
      %broadcast_in_dim3A_78 = vector.broadcast %broadcast_in_dim3A_77 : i32 to vector<16xi32>
      tpu.vector_store_idx %arg12[%add3A_30, %broadcast_in_dim3A_78], %gather3A_76 : memref<512x29xf32, #tpu.memory_space<vmem>>[vector<16xi32>, vector<16xi32>], vector<16xf32>,
      %broadcast_in_dim3A_79 = arith.constant 10 : i32
      %broadcast_in_dim3A_80 = vector.broadcast %broadcast_in_dim3A_79 : i32 to vector<16xi32>
      %gather3A_81 = tpu.vector_load_idx %arg11[%add3A_30, %broadcast_in_dim3A_80] : memref<512x128xf32, #tpu.memory_space<vmem>>[vector<16xi32>, vector<16xi32>], vector<16xf32>,
      %broadcast_in_dim3A_82 = arith.constant 14 : i32
      %broadcast_in_dim3A_83 = vector.broadcast %broadcast_in_dim3A_82 : i32 to vector<16xi32>
      tpu.vector_store_idx %arg12[%add3A_30, %broadcast_in_dim3A_83], %gather3A_81 : memref<512x29xf32, #tpu.memory_space<vmem>>[vector<16xi32>, vector<16xi32>], vector<16xf32>,
      %broadcast_in_dim3A_84 = arith.constant 11 : i32
      %broadcast_in_dim3A_85 = vector.broadcast %broadcast_in_dim3A_84 : i32 to vector<16xi32>
      %gather3A_86 = tpu.vector_load_idx %arg11[%add3A_30, %broadcast_in_dim3A_85] : memref<512x128xf32, #tpu.memory_space<vmem>>[vector<16xi32>, vector<16xi32>], vector<16xf32>,
      %broadcast_in_dim3A_87 = arith.constant 15 : i32
      %broadcast_in_dim3A_88 = vector.broadcast %broadcast_in_dim3A_87 : i32 to vector<16xi32>
      tpu.vector_store_idx %arg12[%add3A_30, %broadcast_in_dim3A_88], %gather3A_86 : memref<512x29xf32, #tpu.memory_space<vmem>>[vector<16xi32>, vector<16xi32>], vector<16xf32>,
      %broadcast_in_dim3A_89 = arith.constant 12 : i32
      %broadcast_in_dim3A_90 = vector.broadcast %broadcast_in_dim3A_89 : i32 to vector<16xi32>
      %gather3A_91 = tpu.vector_load_idx %arg11[%add3A_30, %broadcast_in_dim3A_90] : memref<512x128xf32, #tpu.memory_space<vmem>>[vector<16xi32>, vector<16xi32>], vector<16xf32>,
      %broadcast_in_dim3A_92 = arith.constant 16 : i32
      %broadcast_in_dim3A_93 = vector.broadcast %broadcast_in_dim3A_92 : i32 to vector<16xi32>
      tpu.vector_store_idx %arg12[%add3A_30, %broadcast_in_dim3A_93], %gather3A_91 : memref<512x29xf32, #tpu.memory_space<vmem>>[vector<16xi32>, vector<16xi32>], vector<16xf32>,
      %broadcast_in_dim3A_94 = arith.constant 13 : i32
      %broadcast_in_dim3A_95 = vector.broadcast %broadcast_in_dim3A_94 : i32 to vector<16xi32>
      %gather3A_96 = tpu.vector_load_idx %arg11[%add3A_30, %broadcast_in_dim3A_95] : memref<512x128xf32, #tpu.memory_space<vmem>>[vector<16xi32>, vector<16xi32>], vector<16xf32>,
      %broadcast_in_dim3A_97 = arith.constant 17 : i32
      %broadcast_in_dim3A_98 = vector.broadcast %broadcast_in_dim3A_97 : i32 to vector<16xi32>
      tpu.vector_store_idx %arg12[%add3A_30, %broadcast_in_dim3A_98], %gather3A_96 : memref<512x29xf32, #tpu.memory_space<vmem>>[vector<16xi32>, vector<16xi32>], vector<16xf32>,
      %broadcast_in_dim3A_99 = arith.constant 14 : i32
      %broadcast_in_dim3A_100 = vector.broadcast %broadcast_in_dim3A_99 : i32 to vector<16xi32>
      %gather3A_101 = tpu.vector_load_idx %arg11[%add3A_30, %broadcast_in_dim3A_100] : memref<512x128xf32, #tpu.memory_space<vmem>>[vector<16xi32>, vector<16xi32>], vector<16xf32>,
      %broadcast_in_dim3A_102 = arith.constant 18 : i32
      %broadcast_in_dim3A_103 = vector.broadcast %broadcast_in_dim3A_102 : i32 to vector<16xi32>
      tpu.vector_store_idx %arg12[%add3A_30, %broadcast_in_dim3A_103], %gather3A_101 : memref<512x29xf32, #tpu.memory_space<vmem>>[vector<16xi32>, vector<16xi32>], vector<16xf32>,
      %broadcast_in_dim3A_104 = arith.constant 15 : i32
      %broadcast_in_dim3A_105 = vector.broadcast %broadcast_in_dim3A_104 : i32 to vector<16xi32>
      %gather3A_106 = tpu.vector_load_idx %arg11[%add3A_30, %broadcast_in_dim3A_105] : memref<512x128xf32, #tpu.memory_space<vmem>>[vector<16xi32>, vector<16xi32>], vector<16xf32>,
      %broadcast_in_dim3A_107 = arith.constant 19 : i32
      %broadcast_in_dim3A_108 = vector.broadcast %broadcast_in_dim3A_107 : i32 to vector<16xi32>
      tpu.vector_store_idx %arg12[%add3A_30, %broadcast_in_dim3A_108], %gather3A_106 : memref<512x29xf32, #tpu.memory_space<vmem>>[vector<16xi32>, vector<16xi32>], vector<16xf32>,
      %broadcast_in_dim3A_109 = arith.constant 16 : i32
      %broadcast_in_dim3A_110 = vector.broadcast %broadcast_in_dim3A_109 : i32 to vector<16xi32>
      %gather3A_111 = tpu.vector_load_idx %arg11[%add3A_30, %broadcast_in_dim3A_110] : memref<512x128xf32, #tpu.memory_space<vmem>>[vector<16xi32>, vector<16xi32>], vector<16xf32>,
      %broadcast_in_dim3A_112 = arith.constant 20 : i32
      %broadcast_in_dim3A_113 = vector.broadcast %broadcast_in_dim3A_112 : i32 to vector<16xi32>
      tpu.vector_store_idx %arg12[%add3A_30, %broadcast_in_dim3A_113], %gather3A_111 : memref<512x29xf32, #tpu.memory_space<vmem>>[vector<16xi32>, vector<16xi32>], vector<16xf32>,
      %broadcast_in_dim3A_114 = arith.constant 17 : i32
      %broadcast_in_dim3A_115 = vector.broadcast %broadcast_in_dim3A_114 : i32 to vector<16xi32>
      %gather3A_116 = tpu.vector_load_idx %arg11[%add3A_30, %broadcast_in_dim3A_115] : memref<512x128xf32, #tpu.memory_space<vmem>>[vector<16xi32>, vector<16xi32>], vector<16xf32>,
      %broadcast_in_dim3A_117 = arith.constant 21 : i32
      %broadcast_in_dim3A_118 = vector.broadcast %broadcast_in_dim3A_117 : i32 to vector<16xi32>
      tpu.vector_store_idx %arg12[%add3A_30, %broadcast_in_dim3A_118], %gather3A_116 : memref<512x29xf32, #tpu.memory_space<vmem>>[vector<16xi32>, vector<16xi32>], vector<16xf32>,
      %broadcast_in_dim3A_119 = arith.constant 18 : i32
      %broadcast_in_dim3A_120 = vector.broadcast %broadcast_in_dim3A_119 : i32 to vector<16xi32>
      %gather3A_121 = tpu.vector_load_idx %arg11[%add3A_30, %broadcast_in_dim3A_120] : memref<512x128xf32, #tpu.memory_space<vmem>>[vector<16xi32>, vector<16xi32>], vector<16xf32>,
      %broadcast_in_dim3A_122 = arith.constant 22 : i32
      %broadcast_in_dim3A_123 = vector.broadcast %broadcast_in_dim3A_122 : i32 to vector<16xi32>
      tpu.vector_store_idx %arg12[%add3A_30, %broadcast_in_dim3A_123], %gather3A_121 : memref<512x29xf32, #tpu.memory_space<vmem>>[vector<16xi32>, vector<16xi32>], vector<16xf32>,
      %broadcast_in_dim3A_124 = arith.constant 19 : i32
      %broadcast_in_dim3A_125 = vector.broadcast %broadcast_in_dim3A_124 : i32 to vector<16xi32>
      %gather3A_126 = tpu.vector_load_idx %arg11[%add3A_30, %broadcast_in_dim3A_125] : memref<512x128xf32, #tpu.memory_space<vmem>>[vector<16xi32>, vector<16xi32>], vector<16xf32>,
      %broadcast_in_dim3A_127 = arith.constant 23 : i32
      %broadcast_in_dim3A_128 = vector.broadcast %broadcast_in_dim3A_127 : i32 to vector<16xi32>
      tpu.vector_store_idx %arg12[%add3A_30, %broadcast_in_dim3A_128], %gather3A_126 : memref<512x29xf32, #tpu.memory_space<vmem>>[vector<16xi32>, vector<16xi32>], vector<16xf32>,
      %broadcast_in_dim3A_129 = arith.constant 20 : i32
      %broadcast_in_dim3A_130 = vector.broadcast %broadcast_in_dim3A_129 : i32 to vector<16xi32>
      %gather3A_131 = tpu.vector_load_idx %arg11[%add3A_30, %broadcast_in_dim3A_130] : memref<512x128xf32, #tpu.memory_space<vmem>>[vector<16xi32>, vector<16xi32>], vector<16xf32>,
      %broadcast_in_dim3A_132 = arith.constant 24 : i32
      %broadcast_in_dim3A_133 = vector.broadcast %broadcast_in_dim3A_132 : i32 to vector<16xi32>
      tpu.vector_store_idx %arg12[%add3A_30, %broadcast_in_dim3A_133], %gather3A_131 : memref<512x29xf32, #tpu.memory_space<vmem>>[vector<16xi32>, vector<16xi32>], vector<16xf32>,
    }
    %scan3A_25 = arith.constant 32 : i32
    "tpu.region"() ({
      %run_scoped3A_26 = tpu.sem_alloc : memref<!tpu.dma_semaphore, #tpu.memory_space<semaphore_mem>>
      %dma_start3A_27 = arith.constant 0 : i32
      %dma_start3A_28 = tpu.memref_slice %arg8[%mul3A_2, %dma_start3A_27] : memref<16384x29xf32, #tpu.memory_space<hbm>> -> memref<512x29xf32, #tpu.memory_space<hbm>>
      %dma_start3A_29 = arith.constant 0 : i32
      %dma_start3A_30 = tpu.memref_slice %arg8[%mul3A_2, %dma_start3A_29] : memref<16384x29xf32, #tpu.memory_space<hbm>> -> memref<512x29xf32, #tpu.memory_space<hbm>>
      tpu.enqueue_dma source(%arg12 : memref<512x29xf32, #tpu.memory_space<vmem>>) target(%dma_start3A_30 : memref<512x29xf32, #tpu.memory_space<hbm>>) target_semaphore(%run_scoped3A_26 : memref<!tpu.dma_semaphore, #tpu.memory_space<semaphore_mem>>)
      %dma_wait3A_31 = arith.constant 0 : i32
      %dma_wait3A_32 = tpu.memref_slice %arg8[%mul3A_2, %dma_wait3A_31] : memref<16384x29xf32, #tpu.memory_space<hbm>> -> memref<512x29xf32, #tpu.memory_space<hbm>>
      %dma_wait3A_33 = arith.constant 0 : i32
      %dma_wait3A_34 = tpu.memref_slice %arg8[%mul3A_2, %dma_wait3A_33] : memref<16384x29xf32, #tpu.memory_space<hbm>> -> memref<512x29xf32, #tpu.memory_space<hbm>>
      tpu.wait_dma2 semaphore(%run_scoped3A_26 : memref<!tpu.dma_semaphore, #tpu.memory_space<semaphore_mem>>) src(%arg12 : memref<512x29xf32, #tpu.memory_space<vmem>>) dst(%dma_wait3A_34 : memref<512x29xf32, #tpu.memory_space<hbm>>)
      tpu.yield
    }) : () -> ()
    return
  }
}

</mosaic_0001>

<sc_bundles>
// kernel: kernel.3.cloned.1.call-start
scs
__scs_entry_jumppad:
0x0: {  	(pc) =	sbr.rel $0x88, $3  }
0x1: {  	(tag) =	ssettag $0x0;
	lr =	simm.s32 $0x1  }
0x2: {  	[smem:$0x3F9B] =	sst lr;
	_ =	strace $0xD0000000  }
0x3: {  	_ = 	snop  }
0x4: {  	_ = 	snop  }
0x5: {  	_ = 	snop  }
0x6: {  	_ = 	snop  }
0x7: {  	_ = 	snop  }
__scs_overlays_trampoline_lowered:
0x8: {  	[smem:$0x3FAA] =	sst s0  }
0x9: {  	[smem:$0x3FAB] =	sst s1  }
0xa: {  	[smem:$0x3FAC] =	sst s2  }
0xb: {  	[smem:$0x3FAD] =	sst s3  }
0xc: {  	[smem:$0x3FAE] =	sst s4  }
0xd: {  	[smem:$0x3FAF] =	sst s5  }
0xe: {  	[smem:$0x3FB0] =	sst s6  }
0xf: {  	[smem:$0x3FB1] =	sst s7  }
0x10: {  	[smem:$0x3FB2] =	sst s8  }
0x11: {  	[smem:$0x3FB3] =	sst s9;
	s0 =	simm.s32 @!p0 $0x0  }
0x12: {  	s1 =	sld [smem:$0x3F99];
	s0 =	simm.s32 @p0 $0x1  }
0x13: {  	[smem:$0x3FB4] =	sst s0;
	s0 =	simm.s32 @!p1 $0x0  }
0x14: {  	s2 =	sld [smem:$0x3F98];
	s0 =	simm.s32 @p1 $0x1  }
0x15: {  	[smem:$0x3FB5] =	sst s0;
	s0 =	simm.s32 @!p2 $0x0  }
0x16: {  	s3 =	sld [smem:$0x3FDB];
	s0 =	simm.s32 @p2 $0x1  }
0x17: {  	s4 =	simm.s32 $0x1BF5;
	[smem:$0x3FB7] =	sst s0  }
0x18: {  	s0 =	sld [smem:$0x3F9A];
	_ =	swait.ge [sflag:s4], $0x0  }
0x19: {  	s7 =	sld [smem:$0x3F9B]  }
0x1a: {  	s8 =	sadd.s32 $0xFFFFE003, lr  }
0x1b: {  	s9 =	sadd.s32 $0xFFFFFEF7, lr;
	s5 =	simm.s32 $0xFFFFFFFF;
	p2 =	slt.u32 s8, $0xFFFFF086  }
0x1c: {  	p1 =	slt.u32 s9, $0xF7A;
	s5 =	simm.s32 @!p2 $0x0  }
0x1d: {  	s5 =	simm.s32 @p1 $0x1;
	p0 =	seq.s32 s7, s2  }
0x1e: {  	s7 =	smul.u32 @!p0 $0xF7A, s2;
	p2 =	seq.s32 @!p0 s5, $0x0  }
0x1f: {  	s9 =	smul.u32 $0xF7A, s1;
	s8 =	simm.s32 @!p0 $0x1BF5;
	p2 =	por !p2, p0  }
0x20: {  	[sflag:s8] =	ssyncset.s32 @!p0 $0xFFFFF086;
	s6 =	sadd.s32 @!p0 s3, s7;
	s7 =	simm.s32 @!p0 $0x108  }
0x21: {  	s3 =	sadd.s32 s3, s9;
	s6 =	sadd.s32 @!p0 $0x88, s6;
	s7 =	simm.s32 @p2 $0x1082  }
0x22: {  	[simem:s7], [sflag:s8] =	dma.local @!p0 [hbm:s6], $0xF7A  }
0x23: {  	s9 =	sor.u32 $0xD0000000, s2;
	s6 =	simm.s32 $0x108;
	_ =	swait.ge @!p0 [sflag:s8], $0x0  }
0x24: {  	s3 =	sadd.s32 $0x88, s3;
	s6 =	simm.s32 @!p1 $0x1082;
	[sflag:s4] =	ssyncset.s32 $0xFFFFF086  }
0x25: {  	[simem:s6], [sflag:s4] =	dma.local [hbm:s3], $0xF7A  }
0x26: {  	[smem:$0x3F9B] =	sst s1;
	(tag) =	ssettag s2;
	_ =	strace s9  }
0x27: {  	s1 =	sld [smem:$0x3FAB]  }
0x28: {  	s2 =	sld [smem:$0x3FAC]  }
0x29: {  	s4 =	sld [smem:$0x3FAE]  }
0x2a: {  	p0 =	seq.s32 s5, $0x0;
	s5 =	sld [smem:$0x3FAF]  }
0x2b: {  	s6 =	sld [smem:$0x3FB0]  }
0x2c: {  	s7 =	sld [smem:$0x3FB1]  }
0x2d: {  	s3 =	simm.s32 $0x108;
	s8 =	sld [smem:$0x3FB2]  }
0x2e: {  	s3 =	simm.s32 @!p0 $0x1082;
	s9 =	sld [smem:$0x3FB3]  }
0x2f: {  	lr =	sadd.s32 s0, s3;
	s0 =	sld [smem:$0x3FAA]  }
0x30: {  	s3 =	sld [smem:$0x3FAD]  }
0x31: {  	[smem:$0x3FB6] =	sst s10  }
0x32: {  	s10 =	sld [smem:$0x3FB4];
	_ =	sdelay $0x3  }
0x33: {  	p0 =	seq.s32 s10, $0x1;
	s10 =	sld [smem:$0x3FB6];
	_ =	sdelay $0x3  }
0x34: {  	[smem:$0x3FB6] =	sst s10  }
0x35: {  	s10 =	sld [smem:$0x3FB5];
	_ =	sdelay $0x3  }
0x36: {  	p1 =	seq.s32 s10, $0x1;
	s10 =	sld [smem:$0x3FB6];
	_ =	sdelay $0x3  }
0x37: {  	[smem:$0x3FB6] =	sst s10  }
0x38: {  	s10 =	sld [smem:$0x3FB7]  }
0x39: {  	_ = 	snop;
	(pc) =	sbr.ind lr, $3  }
0x3a: {  	_ = 	snop  }
0x3b: {  	_ = 	snop  }
0x3c: {  	p2 =	seq.s32 s10, $0x1;
	s10 =	sld [smem:$0x3FB6]  }
0x3d: {  	_ =	shalt  }
0x3e: {  	_ =	shalt  }
0x3f: {  	_ =	shalt  }
0x40: {  	_ =	shalt  }
0x41: {  	_ =	shalt  }
0x42: {  	_ =	shalt  }
0x43: {  	_ =	shalt  }
0x44: {  	_ =	shalt  }
0x45: {  	_ =	shalt  }
0x46: {  	_ =	shalt  }
0x47: {  	_ =	shalt  }
0x48: {  	_ =	shalt  }
0x49: {  	_ =	shalt  }
0x4a: {  	_ =	shalt  }
0x4b: {  	_ =	shalt  }
0x4c: {  	_ =	shalt  }
0x4d: {  	_ =	shalt  }
0x4e: {  	_ =	shalt  }
0x4f: {  	_ =	shalt  }
0x50: {  	_ =	shalt  }
0x51: {  	_ =	shalt  }
0x52: {  	_ =	shalt  }
0x53: {  	_ =	shalt  }
0x54: {  	_ =	shalt  }
0x55: {  	_ =	shalt  }
0x56: {  	_ =	shalt  }
0x57: {  	_ =	shalt  }
0x58: {  	_ =	shalt  }
0x59: {  	_ =	shalt  }
0x5a: {  	_ =	shalt  }
0x5b: {  	_ =	shalt  }
0x5c: {  	_ =	shalt  }
0x5d: {  	_ =	shalt  }
0x5e: {  	_ =	shalt  }
0x5f: {  	_ =	shalt  }
0x60: {  	_ =	shalt  }
0x61: {  	_ =	shalt  }
0x62: {  	_ =	shalt  }
0x63: {  	_ =	shalt  }
0x64: {  	_ =	shalt  }
0x65: {  	_ =	shalt  }
0x66: {  	_ =	shalt  }
0x67: {  	_ =	shalt  }
0x68: {  	_ =	shalt  }
0x69: {  	_ =	shalt  }
0x6a: {  	_ =	shalt  }
0x6b: {  	_ =	shalt  }
0x6c: {  	_ =	shalt  }
0x6d: {  	_ =	shalt  }
0x6e: {  	_ =	shalt  }
0x6f: {  	_ =	shalt  }
0x70: {  	_ =	shalt  }
0x71: {  	_ =	shalt  }
0x72: {  	_ =	shalt  }
0x73: {  	_ =	shalt  }
0x74: {  	_ =	shalt  }
0x75: {  	_ =	shalt  }
0x76: {  	_ =	shalt  }
0x77: {  	_ =	shalt  }
0x78: {  	_ =	shalt  }
0x79: {  	_ =	shalt  }
0x7a: {  	_ =	shalt  }
0x7b: {  	_ =	shalt  }
0x7c: {  	_ =	shalt  }
0x7d: {  	_ =	shalt  }
0x7e: {  	_ =	shalt  }
0x7f: {  	_ =	shalt  }
0x80: {  	_ =	shalt  }
0x81: {  	_ =	shalt  }
0x82: {  	_ =	shalt  }
0x83: {  	_ =	shalt  }
0x84: {  	_ =	shalt  }
0x85: {  	_ =	shalt  }
0x86: {  	_ =	shalt  }
0x87: {  	_ =	shalt  }
.Lfunc_end0:
.L_simem_size_0:
called_computation_lowered:
.L_overlay_start_0:
0x88: {  	s2 =	sld [smem:$0x3FD9]  }
0x89: {  	s3 =	sld [smem:$0x3FFE];
	_ =	sdelay $0x1  }
0x8a: {  	s1 =	srdreg.scid  }
0x8b: {  	s0 =	sand.u32 $0x1, s1  }
0x8c: {  	s17 =	sshll.u32 s0, $0xA;
	s2 =	sadd.s32 s3, s2  }
0x8d: {  	s2 =	sadd.s32 s2, s17  }
0x8e: {  	[smem:$0x3FC2] =	sst s2  }
0x8f: {  	_ = 	snop  }
0x90: {  	s2 =	sld [smem:$0x3FD0];
	(tm) =	ssettm $0x1  }
0x91: {  	s18 =	sld [smem:$0x3FFB];
	_ =	sdelay $0x3  }
0x92: {  	_ =	strace s18  }
0x93: {  	s3 =	sld [smem:$0x3FFC];
	_ =	sdelay $0x3  }
0x94: {  	_ =	strace s3  }
0x95: {  	s3 =	sld [smem:$0x3FFD];
	_ =	sdelay $0x3  }
0x96: {  	_ =	strace s3  }
0x97: {  	_ =	strace $0x8FFFFFFF  }
0x98: {  	s19 =	sld [smem:$0x3FDB];
	_ =	sdelay $0x1  }
0x99: {  	s4 =	simm.s32 $_scs_section_size  }
0x9a: {  	s5 =	simm.s32 $_size__tile_overlayer_lowered;
	s6 =	simm.s32 $_tile_overlayer_lowered  }
0x9b: {  	s22 =	simm.s32 $0x1BFF;
	s21 =	sshll.u32 s6, $0x1;
	s3 =	sadd.s32 s4, s19  }
0x9c: {  	s7 =	simm.s32 $0x0;
	s20 =	sshll.u32 s5, $0x1;
	s5 =	sadd.s32 s21, s3  }
0x9d: {  	[timem:s7], [sflag:s22] =	dma.local [hbm:s5], s20  }
0x9e: {  	_ =	swait.ge [sflag:s22], s20  }
0x9f: {  	s4 =	ssub.s32 $0x0, s20;
	[sflag:s22] =	ssyncset.done $0x0  }
0xa0: {  	[sflag:s22] =	ssyncadd.s32 s4;
	_ =	sdelay $0x1  }
0xa1: {  	s23 =	simm.s32 $0x1B8B  }
0xa2: {  	_ =	swait.ge [sflag:s23], $0x1  }
0xa3: {  	[sflag:s23] =	ssyncset.done $0x0  }
0xa4: {  	s25 =	simm.s32 $0x1B8E;
	s24 =	sld [smem:$0x3FFE];
	[sflag:s23] =	ssyncadd.s32 $0xFFFFFFFF  }
0xa5: {  	s26 =	simm.s32 $execute0_lowered;
	[smem:$0x3FD2] =	sst s25  }
0xa6: {  	s5 =	sshll.u32 s26, $0x1;
	_ =	strace $0x80000046;
	[dreg:$0x1] =	wrdreg $0xFFFFFFFF  }
0xa7: {  	s28 =	simm.s32 $_size_execute0_lowered;
	s3 =	sadd.s32 s3, s5;
	[dreg:$0x0] =	wrdreg $0x0  }
0xa8: {  	s5 =	sshll.u32 s28, $0x1;
	[dreg:$0x2] =	wrdreg s3  }
0xa9: {  	[dreg:$0x3] =	wrdreg s5  }
0xaa: {  	[dreg:$0x4] =	wrdreg $0xC0  }
0xab: {  	_ =	task [dreg:s7], $0x5FFFF  }
0xac: {  	[dreg:$0x1] =	wrdreg $0xFFFFFFFF  }
0xad: {  	[dreg:$0x0] =	wrdreg $0x60  }
0xae: {  	[dreg:$0x2] =	wrdreg s24  }
0xaf: {  	[dreg:$0x3] =	wrdreg s2  }
0xb0: {  	[dreg:$0x4] =	wrdreg $0x9  }
0xb1: {  	_ =	task.clear_ibuf [dreg:s7], $0x5FFFF;
	_ =	strace $0x90000046  }
0xb2: {  	s29 =	simm.s32 $0x9;
	_ =	strace $0x80000048  }
0xb3: {  	_ =	swait.ge [sflag:s29], $0x1  }
0xb4: {  	[sflag:s29] =	ssyncadd.s32 $0xFFFFFFFF  }
0xb5: {  	_ =	strace $0x90000048  }
0xb6: {  	_ =	sfence  }
0xb7: {  	s30 =	sld [smem:$0x0];
	_ =	sdelay $0x2  }
0xb8: {  	s31 =	sshll.u32 s1, $0xD;
	s1 =	sshrl.u32 s1, $0x2  }
0xb9: {  	s3 =	sand.u32 $0x4000, s31;
	s1 =	sadd.s32 s1, s30  }
0xba: {  	s0 =	sor.u32 s3, s0;
	s1 =	sshll.u32 s1, $0x11  }
0xbb: {  	s0 =	sor.u32 s1, s0  }
0xbc: {  	s0 =	sadd.s32 $0x8F2B, s0  }
0xbd: {  	[sflag:s0] =	ssyncadd.remote.s32 $0x1  }
0xbe: {  	_ =	sfence.sel $0xFFFF  }
0xbf: {  	[dreg:$0x0] =	wrdreg $0xFFFFFFFF;
	(pc) =	sbr.abs _section_cstart, $3  }
0xc0: {  	[dreg:$0x1] =	wrdreg $0xFFFFFFFF  }
0xc1: {  	_ =	task.clear_ibuf [dreg:s7], $0x2FFFF;
	_ =	strace $0x9FFFFFFF  }
0xc2: {  	(tm) =	ssettm $0x7FFFFFFF  }
0xc3: {  	_ =	shalt  }
tec
execute0_lowered:
.L_overlay_start_1:
0x0: {  	(tag) =	ssettag $0x1  }
0x1: {  	s1 =	srdreg.scid  }
0x2: {  	s7 =	rddreg [dreg:$0x0];
	s0 =	stileid.u32  }
0x3: {  	s13 =	rddreg [dreg:$0x1];
	s2 =	simm.s32 $0x0;
	s17 =	simm.s32 $0x200  }
0x4: {  	s18 =	simm.s32 $0x600;
	s19 =	simm.s32 $0xA00;
	s20 =	simm.s32 $0x14A00  }
0x5: {  	s21 =	simm.s32 $0x16940;
	s22 =	simm.s32 $0x18880;
	s23 =	simm.s32 $0x18A00  }
0x6: {  	s24 =	simm.s32 $0x10A00;
	s25 =	simm.s32 $0x1;
	s26 =	simm.s32 $0x0  }
0x7: {  	s6 =	sand.u32 $0x1, s1;
	s3 =	sshll.u32 s0, $0xA;
	s1 =	rddreg [dreg:$0x2]  }
0x8: {  	[smem:$0x7FF] =	sst s2;
	s5 =	sadd.s32 $0xE00, s7;
	s4 =	sshll.u32 s6, $0x9  }
0x9: {  	_ =	strace $0x80000047;
	s8 =	ssub.s32 $0x2, s6;
	s6 =	sadd.s32 $0x3E00, s7  }
0xa: {  	s12 =	sor.u32 s4, s3;
	s4 =	sadd.s32 $0x187800, s7;
	s9 =	sshrl.u32 s8, $0x1  }
0xb: {  	s3 =	sshrl.u32 s12, $0x3;
	s15 =	ssub.s32 s8, s9;
	s16 =	sshll.u32 s12, $0x2  }
0xc: {  	s14 =	sadd.s32 s3, s7;
	s3 =	sadd.s32 $0x1200, s7;
	s7 =	sadd.s32 $0x4000, s7  }
0xd: {  	s13 =	sadd.s32 s13, s16;
	s16 =	simm.s32 $0x2;
	s8 =	sadd.s32 $0x1E00, s14  }
0xe: {  	v0 =	vlaneseq.u32;
	s9 =	sadd.s32 $0x1600, s14;
	s10 =	sadd.s32 $0x2600, s14;
	s11 =	sadd.s32 $0x2E00, s14  }
0xf: {  	v1 =	vimm.s32 $0x0;
	v2 =	vmul.u32 $0x20, v0;
	s12 =	sadd.s32 $0x3600, s14;
	s14 =	smax.u32 s15, $0x1;
	s15 =	simm.s32 $0x800  }
.LBB2_1:
0x10: {  	[tilespmem:s15], [sflag:$0x2] =	stream.linear.gather [hbm4b:s8+s2], $0x200, $0x38;
	[tilespmem:$0x18A10] =	vst v63  }
0x11: {  	_ =	swait.ge [sflag:s16], $0x200  }
0x12: {  	[sflag:s16] =	ssyncset.done $0x0  }
0x13: {  	[sflag:s16] =	ssyncadd.s32 $0xFFFFFE00  }
0x14: {  	[tilespmem:s2], [sflag:$0x2] =	stream.linear.gather [hbm4b:s9+s2], $0x200, $0x38;
	[tilespmem:$0x18A10] =	vst v63  }
0x15: {  	_ =	swait.ge [sflag:s16], $0x200  }
0x16: {  	[sflag:s16] =	ssyncset.done $0x0  }
0x17: {  	[sflag:s16] =	ssyncadd.s32 $0xFFFFFE00  }
0x18: {  	[tilespmem:s17], [sflag:$0x2] =	stream.linear.gather [hbm4b:s10+s2], $0x200, $0x38;
	[tilespmem:$0x18A10] =	vst v63  }
0x19: {  	_ =	swait.ge [sflag:s16], $0x200  }
0x1a: {  	[sflag:s16] =	ssyncset.done $0x0  }
0x1b: {  	s28 =	simm.s32 $0x400;
	[sflag:s16] =	ssyncadd.s32 $0xFFFFFE00  }
0x1c: {  	[tilespmem:s28], [sflag:$0x2] =	stream.linear.gather [hbm4b:s11+s2], $0x200, $0x38;
	[tilespmem:$0x18A10] =	vst v63  }
0x1d: {  	_ =	swait.ge [sflag:s16], $0x200  }
0x1e: {  	[sflag:s16] =	ssyncset.done $0x0  }
0x1f: {  	[sflag:s16] =	ssyncadd.s32 $0xFFFFFE00  }
0x20: {  	[tilespmem:s18], [sflag:$0x2] =	stream.linear.gather [hbm4b:s12+s2], $0x200, $0x38;
	[tilespmem:$0x18A10] =	vst v63  }
0x21: {  	_ =	swait.ge [sflag:s16], $0x200  }
0x22: {  	[sflag:s16] =	ssyncset.done $0x0  }
0x23: {  	[sflag:s16] =	ssyncadd.s32 $0xFFFFFE00  }
0x24: {  	[tilespmem:s19], [sflag:$0x1] =	stream.indirect.gather [hbm4b:s4+s17], $0x80, s15, s17, $0xb8;
	[tilespmem:$0x18A10] =	vst v63  }
0x25: {  	_ = 	snop  }
0x26: {  	[tilespmem:s20], [sflag:$0x2] =	stream.linear.gather [hbm4b:s3+s2], $0x1F40, $0x38;
	[tilespmem:$0x18A10] =	vst v63  }
0x27: {  	_ =	swait.ge [sflag:s16], $0x1F40  }
0x28: {  	[sflag:s16] =	ssyncset.done $0x0  }
0x29: {  	[sflag:s16] =	ssyncadd.s32 $0xFFFFE0C0  }
0x2a: {  	[tilespmem:s21], [sflag:$0x2] =	stream.linear.gather [hbm4b:s5+s2], $0x1F40, $0x38;
	[tilespmem:$0x18A10] =	vst v63  }
0x2b: {  	_ =	swait.ge [sflag:s16], $0x1F40  }
0x2c: {  	[sflag:s16] =	ssyncset.done $0x0  }
0x2d: {  	[sflag:s16] =	ssyncadd.s32 $0xFFFFE0C0  }
0x2e: {  	[tilespmem:s22], [sflag:$0x2] =	stream.linear.gather [hbm4b:s6+s2], $0x180, $0x38;
	[tilespmem:$0x18A10] =	vst v63  }
0x2f: {  	_ =	swait.ge [sflag:s16], $0x180  }
0x30: {  	[sflag:s16] =	ssyncset.done $0x0  }
0x31: {  	[sflag:s16] =	ssyncadd.s32 $0xFFFFFE80  }
0x32: {  	[tilespmem:s23], [sflag:$0x2] =	stream.linear.gather [hbm4b:s7+s2], $0x10, $0x38;
	[tilespmem:$0x18A10] =	vst v63  }
0x33: {  	_ =	swait.ge [sflag:s16], $0x10  }
0x34: {  	[sflag:s16] =	ssyncset.done $0x0  }
0x35: {  	s29 =	simm.s32 $0x0;
	[sflag:s16] =	ssyncadd.s32 $0xFFFFFFF0  }
.LBB2_2:
0x36: {  	v3 =	vld [tilespmem:s28+$0xFFFFFC00];
	_ =	sdelay $0x4  }
0x37: {  	vm0 =	vgt.s32 v3, $0x0  }
0x38: {  	v3 =	vnsel vm0, $0x0, v3  }
0x39: {  	v3 =	vmin.u32 v3, $0x3E7  }
0x3a: {  	v3 =	vshll.u32 v3, $0x3;
	_ =	sdelay $0x2  }
0x3b: {  	v4 =	vmov s29  }
0x3c: {  	v4 =	vshll.u32 v4, $0x5  }
0x3d: {  	v4 =	vor.u32 v2, v4;
	v5 =	vld.idx.msk [tilespmem:v3+s20+$0x0], $0xffff  }
0x3e: {  	v6 =	vor.u32 $0x1, v3;
	_ =	sdelay $0x3  }
0x3f: {  	[tilespmem:v4+s24+$0x0] =	vst.idx.msk $0xffff, v5  }
0x40: {  	v58 =	vor.u32 $0x1, v4;
	v5 =	vld.idx.msk [tilespmem:v6+s20+$0x0], $0xffff  }
0x41: {  	v7 =	vor.u32 $0x2, v3;
	_ =	sdelay $0x3  }
0x42: {  	[tilespmem:v58+s24+$0x0] =	vst.idx.msk $0xffff, v5  }
0x43: {  	v59 =	vor.u32 $0x2, v4;
	v5 =	vld.idx.msk [tilespmem:v7+s20+$0x0], $0xffff  }
0x44: {  	v3 =	vor.u32 $0x3, v3;
	_ =	sdelay $0x3  }
0x45: {  	[tilespmem:v59+s24+$0x0] =	vst.idx.msk $0xffff, v5  }
0x46: {  	v60 =	vor.u32 $0x3, v4;
	v3 =	vld.idx.msk [tilespmem:v3+s20+$0x0], $0xffff;
	_ =	sdelay $0x4  }
0x47: {  	[tilespmem:v60+s24+$0x0] =	vst.idx.msk $0xffff, v3  }
0x48: {  	v3 =	vld [tilespmem:s28+$0xFFFFFE00];
	_ =	sdelay $0x4  }
0x49: {  	vm13 =	vgt.s32 v3, $0x0  }
0x4a: {  	v3 =	vnsel vm13, $0x0, v3  }
0x4b: {  	v3 =	vmin.u32 v3, $0x3E7  }
0x4c: {  	v3 =	vshll.u32 v3, $0x3;
	_ =	sdelay $0x4  }
0x4d: {  	v61 =	vor.u32 $0x19, v4;
	v3 =	vld.idx.msk [tilespmem:v3+s21+$0x0], $0xffff;
	_ =	sdelay $0x4  }
0x4e: {  	[tilespmem:v61+s24+$0x0] =	vst.idx.msk $0xffff, v3  }
0x4f: {  	v3 =	vld [tilespmem:s28+$0x0];
	_ =	sdelay $0x4  }
0x50: {  	vm14 =	vgt.s32 v3, $0x0  }
0x51: {  	v3 =	vnsel vm14, $0x0, v3  }
0x52: {  	v3 =	vmin.u32 v3, $0x2F  }
0x53: {  	v3 =	vshll.u32 v3, $0x3;
	_ =	sdelay $0x4  }
0x54: {  	v62 =	vor.u32 $0x1A, v4;
	v3 =	vld.idx.msk [tilespmem:v3+s22+$0x0], $0xffff;
	_ =	sdelay $0x4  }
0x55: {  	[tilespmem:v62+s24+$0x0] =	vst.idx.msk $0xffff, v3  }
0x56: {  	v3 =	vld [tilespmem:s28+$0x200];
	_ =	sdelay $0x4  }
0x57: {  	vm15 =	vgt.s32 v3, $0x0  }
0x58: {  	v3 =	vsel vm15, $0x8, v1;
	_ =	sdelay $0x4  }
0x59: {  	v63 =	vor.u32 $0x1B, v4;
	v5 =	vld.idx.msk [tilespmem:v3+s23+$0x0], $0xffff  }
0x5a: {  	v3 =	vor.u32 $0x1, v3;
	_ =	sdelay $0x3  }
0x5b: {  	[tilespmem:v63+s24+$0x0] =	vst.idx.msk $0xffff, v5  }
0x5c: {  	p0 =	sne.s32 s29, $0x1F0;
	v4 =	vor.u32 $0x1C, v4;
	v3 =	vld.idx.msk [tilespmem:v3+s23+$0x0], $0xffff  }
.Ltmp0:
0x5d: {  	_ = 	snop;
	(pc) =	sbr.rel @p0 .LBB2_2-.Ltmp0, $2  }
0x5e: {  	_ =	sdelay $0x2  }
0x5f: {  	s29 =	sadd.s32 $0x10, s29;
	s28 =	sadd.s32 $0x10, s28;
	[tilespmem:v4+s24+$0x0] =	vst.idx.msk $0xffff, v3  }
0x60: {  	s28 =	simm.s32 $0x0  }
0x61: {  	v3 =	vor.u32 s28, v0  }
0x62: {  	v4 =	vshll.u32 v3, $0x7;
	_ =	sdelay $0x1  }
0x63: {  	_ =	swait.ge [sflag:s25], $0x10000  }
0x64: {  	[sflag:s25] =	ssyncset.done $0x0  }
0x65: {  	[sflag:s25] =	ssyncadd.s32 $0xFFFF0000;
	v3 =	vshll.u32 v3, $0x5  }
0x66: {  	v6 =	vor.u32 $0x4, v3;
	v5 =	vld.idx.msk [tilespmem:v4+s19+$0x0], $0xffff  }
0x67: {  	v7 =	vor.u32 $0x1, v4;
	_ =	sdelay $0x3  }
0x68: {  	[tilespmem:v6+s24+$0x0] =	vst.idx.msk $0xffff, v5  }
0x69: {  	v6 =	vor.u32 $0x5, v3;
	v5 =	vld.idx.msk [tilespmem:v7+s19+$0x0], $0xffff  }
0x6a: {  	v7 =	vor.u32 $0x2, v4;
	_ =	sdelay $0x3  }
0x6b: {  	[tilespmem:v6+s24+$0x0] =	vst.idx.msk $0xffff, v5  }
0x6c: {  	v6 =	vor.u32 $0x6, v3;
	v5 =	vld.idx.msk [tilespmem:v7+s19+$0x0], $0xffff  }
0x6d: {  	v7 =	vor.u32 $0x3, v4;
	_ =	sdelay $0x3  }
0x6e: {  	[tilespmem:v6+s24+$0x0] =	vst.idx.msk $0xffff, v5  }
0x6f: {  	v6 =	vor.u32 $0x7, v3;
	v5 =	vld.idx.msk [tilespmem:v7+s19+$0x0], $0xffff  }
0x70: {  	v7 =	vor.u32 $0x4, v4;
	_ =	sdelay $0x3  }
0x71: {  	[tilespmem:v6+s24+$0x0] =	vst.idx.msk $0xffff, v5  }
0x72: {  	v6 =	vor.u32 $0x8, v3;
	v5 =	vld.idx.msk [tilespmem:v7+s19+$0x0], $0xffff  }
0x73: {  	v7 =	vor.u32 $0x5, v4;
	_ =	sdelay $0x3  }
0x74: {  	[tilespmem:v6+s24+$0x0] =	vst.idx.msk $0xffff, v5  }
0x75: {  	v6 =	vor.u32 $0x9, v3;
	v5 =	vld.idx.msk [tilespmem:v7+s19+$0x0], $0xffff  }
0x76: {  	v7 =	vor.u32 $0x6, v4;
	_ =	sdelay $0x3  }
0x77: {  	[tilespmem:v6+s24+$0x0] =	vst.idx.msk $0xffff, v5  }
0x78: {  	v6 =	vor.u32 $0xA, v3;
	v5 =	vld.idx.msk [tilespmem:v7+s19+$0x0], $0xffff  }
0x79: {  	v7 =	vor.u32 $0x7, v4;
	_ =	sdelay $0x3  }
0x7a: {  	[tilespmem:v6+s24+$0x0] =	vst.idx.msk $0xffff, v5  }
0x7b: {  	v6 =	vor.u32 $0xB, v3;
	v5 =	vld.idx.msk [tilespmem:v7+s19+$0x0], $0xffff  }
0x7c: {  	v7 =	vor.u32 $0x8, v4;
	_ =	sdelay $0x3  }
0x7d: {  	[tilespmem:v6+s24+$0x0] =	vst.idx.msk $0xffff, v5  }
0x7e: {  	v6 =	vor.u32 $0xC, v3;
	v5 =	vld.idx.msk [tilespmem:v7+s19+$0x0], $0xffff  }
0x7f: {  	v7 =	vor.u32 $0x9, v4;
	_ =	sdelay $0x3  }
0x80: {  	[tilespmem:v6+s24+$0x0] =	vst.idx.msk $0xffff, v5  }
0x81: {  	v6 =	vor.u32 $0xD, v3;
	v5 =	vld.idx.msk [tilespmem:v7+s19+$0x0], $0xffff  }
0x82: {  	v7 =	vor.u32 $0xA, v4;
	_ =	sdelay $0x3  }
0x83: {  	[tilespmem:v6+s24+$0x0] =	vst.idx.msk $0xffff, v5  }
0x84: {  	v6 =	vor.u32 $0xE, v3;
	v5 =	vld.idx.msk [tilespmem:v7+s19+$0x0], $0xffff  }
0x85: {  	v7 =	vor.u32 $0xB, v4;
	_ =	sdelay $0x3  }
0x86: {  	[tilespmem:v6+s24+$0x0] =	vst.idx.msk $0xffff, v5  }
0x87: {  	v6 =	vor.u32 $0xF, v3;
	v5 =	vld.idx.msk [tilespmem:v7+s19+$0x0], $0xffff  }
0x88: {  	v7 =	vor.u32 $0xC, v4;
	_ =	sdelay $0x3  }
0x89: {  	[tilespmem:v6+s24+$0x0] =	vst.idx.msk $0xffff, v5  }
0x8a: {  	v6 =	vor.u32 $0x10, v3;
	v5 =	vld.idx.msk [tilespmem:v7+s19+$0x0], $0xffff  }
0x8b: {  	v7 =	vor.u32 $0xD, v4;
	_ =	sdelay $0x3  }
0x8c: {  	[tilespmem:v6+s24+$0x0] =	vst.idx.msk $0xffff, v5  }
0x8d: {  	v6 =	vor.u32 $0x11, v3;
	v5 =	vld.idx.msk [tilespmem:v7+s19+$0x0], $0xffff  }
0x8e: {  	v7 =	vor.u32 $0xE, v4;
	_ =	sdelay $0x3  }
0x8f: {  	[tilespmem:v6+s24+$0x0] =	vst.idx.msk $0xffff, v5  }
0x90: {  	v6 =	vor.u32 $0x12, v3;
	v5 =	vld.idx.msk [tilespmem:v7+s19+$0x0], $0xffff  }
0x91: {  	v7 =	vor.u32 $0xF, v4;
	_ =	sdelay $0x3  }
0x92: {  	[tilespmem:v6+s24+$0x0] =	vst.idx.msk $0xffff, v5  }
0x93: {  	v6 =	vor.u32 $0x13, v3;
	v5 =	vld.idx.msk [tilespmem:v7+s19+$0x0], $0xffff  }
0x94: {  	v7 =	vor.u32 $0x10, v4;
	_ =	sdelay $0x3  }
0x95: {  	[tilespmem:v6+s24+$0x0] =	vst.idx.msk $0xffff, v5  }
0x96: {  	v6 =	vor.u32 $0x14, v3;
	v5 =	vld.idx.msk [tilespmem:v7+s19+$0x0], $0xffff  }
0x97: {  	v7 =	vor.u32 $0x11, v4;
	_ =	sdelay $0x3  }
0x98: {  	[tilespmem:v6+s24+$0x0] =	vst.idx.msk $0xffff, v5  }
0x99: {  	v6 =	vor.u32 $0x15, v3;
	v5 =	vld.idx.msk [tilespmem:v7+s19+$0x0], $0xffff  }
0x9a: {  	v7 =	vor.u32 $0x12, v4;
	_ =	sdelay $0x3  }
0x9b: {  	[tilespmem:v6+s24+$0x0] =	vst.idx.msk $0xffff, v5  }
0x9c: {  	v6 =	vor.u32 $0x16, v3;
	v5 =	vld.idx.msk [tilespmem:v7+s19+$0x0], $0xffff  }
0x9d: {  	v7 =	vor.u32 $0x13, v4;
	_ =	sdelay $0x3  }
0x9e: {  	[tilespmem:v6+s24+$0x0] =	vst.idx.msk $0xffff, v5  }
0x9f: {  	v6 =	vor.u32 $0x17, v3;
	v5 =	vld.idx.msk [tilespmem:v7+s19+$0x0], $0xffff  }
0xa0: {  	v4 =	vor.u32 $0x14, v4;
	_ =	sdelay $0x3  }
0xa1: {  	s28 =	simm.s32 $0x10;
	[tilespmem:v6+s24+$0x0] =	vst.idx.msk $0xffff, v5  }
0xa2: {  	v3 =	vor.u32 $0x18, v3;
	v5 =	vor.u32 s28, v0;
	s28 =	simm.s32 $0x20;
	v6 =	vld.idx.msk [tilespmem:v4+s19+$0x0], $0xffff  }
.LBB2_4:
0xa3: {  	p0 =	sne.s32 s28, $0x1F0;
	v4 =	vshll.u32 v5, $0x7;
	_ =	sdelay $0x3  }
0xa4: {  	[tilespmem:v3+s24+$0x0] =	vst.idx.msk $0xffff, v6  }
0xa5: {  	v3 =	vshll.u32 v5, $0x5;
	v6 =	vld.idx.msk [tilespmem:v4+s19+$0x0], $0xffff  }
0xa6: {  	v5 =	vor.u32 $0x4, v3  }
0xa7: {  	v7 =	vor.u32 $0x1, v4;
	_ =	sdelay $0x3  }
0xa8: {  	[tilespmem:v5+s24+$0x0] =	vst.idx.msk $0xffff, v6  }
0xa9: {  	v5 =	vld.idx.msk [tilespmem:v7+s19+$0x0], $0xffff  }
0xaa: {  	v6 =	vor.u32 $0x5, v3  }
0xab: {  	v7 =	vor.u32 $0x2, v4;
	_ =	sdelay $0x3  }
0xac: {  	[tilespmem:v6+s24+$0x0] =	vst.idx.msk $0xffff, v5  }
0xad: {  	v5 =	vld.idx.msk [tilespmem:v7+s19+$0x0], $0xffff  }
0xae: {  	v6 =	vor.u32 $0x6, v3  }
0xaf: {  	v7 =	vor.u32 $0x3, v4;
	_ =	sdelay $0x3  }
0xb0: {  	[tilespmem:v6+s24+$0x0] =	vst.idx.msk $0xffff, v5  }
0xb1: {  	v5 =	vld.idx.msk [tilespmem:v7+s19+$0x0], $0xffff  }
0xb2: {  	v6 =	vor.u32 $0x7, v3  }
0xb3: {  	v7 =	vor.u32 $0x4, v4;
	_ =	sdelay $0x3  }
0xb4: {  	[tilespmem:v6+s24+$0x0] =	vst.idx.msk $0xffff, v5  }
0xb5: {  	v5 =	vld.idx.msk [tilespmem:v7+s19+$0x0], $0xffff  }
0xb6: {  	v6 =	vor.u32 $0x8, v3  }
0xb7: {  	v7 =	vor.u32 $0x5, v4;
	_ =	sdelay $0x3  }
0xb8: {  	[tilespmem:v6+s24+$0x0] =	vst.idx.msk $0xffff, v5  }
0xb9: {  	v5 =	vld.idx.msk [tilespmem:v7+s19+$0x0], $0xffff  }
0xba: {  	v6 =	vor.u32 $0x9, v3  }
0xbb: {  	v7 =	vor.u32 $0x6, v4;
	_ =	sdelay $0x3  }
0xbc: {  	[tilespmem:v6+s24+$0x0] =	vst.idx.msk $0xffff, v5  }
0xbd: {  	v5 =	vld.idx.msk [tilespmem:v7+s19+$0x0], $0xffff  }
0xbe: {  	v6 =	vor.u32 $0xA, v3  }
0xbf: {  	v7 =	vor.u32 $0x7, v4;
	_ =	sdelay $0x3  }
0xc0: {  	[tilespmem:v6+s24+$0x0] =	vst.idx.msk $0xffff, v5  }
0xc1: {  	v5 =	vld.idx.msk [tilespmem:v7+s19+$0x0], $0xffff  }
0xc2: {  	v6 =	vor.u32 $0xB, v3  }
0xc3: {  	v7 =	vor.u32 $0x8, v4;
	_ =	sdelay $0x3  }
0xc4: {  	[tilespmem:v6+s24+$0x0] =	vst.idx.msk $0xffff, v5  }
0xc5: {  	v5 =	vld.idx.msk [tilespmem:v7+s19+$0x0], $0xffff  }
0xc6: {  	v6 =	vor.u32 $0xC, v3  }
0xc7: {  	v7 =	vor.u32 $0x9, v4;
	_ =	sdelay $0x3  }
0xc8: {  	[tilespmem:v6+s24+$0x0] =	vst.idx.msk $0xffff, v5  }
0xc9: {  	v5 =	vld.idx.msk [tilespmem:v7+s19+$0x0], $0xffff  }
0xca: {  	v6 =	vor.u32 $0xD, v3  }
0xcb: {  	v7 =	vor.u32 $0xA, v4;
	_ =	sdelay $0x3  }
0xcc: {  	[tilespmem:v6+s24+$0x0] =	vst.idx.msk $0xffff, v5  }
0xcd: {  	v5 =	vld.idx.msk [tilespmem:v7+s19+$0x0], $0xffff  }
0xce: {  	v6 =	vor.u32 $0xE, v3  }
0xcf: {  	v7 =	vor.u32 $0xB, v4;
	_ =	sdelay $0x3  }
0xd0: {  	[tilespmem:v6+s24+$0x0] =	vst.idx.msk $0xffff, v5  }
0xd1: {  	v5 =	vld.idx.msk [tilespmem:v7+s19+$0x0], $0xffff  }
0xd2: {  	v6 =	vor.u32 $0xF, v3  }
0xd3: {  	v7 =	vor.u32 $0xC, v4;
	_ =	sdelay $0x3  }
0xd4: {  	[tilespmem:v6+s24+$0x0] =	vst.idx.msk $0xffff, v5  }
0xd5: {  	v5 =	vld.idx.msk [tilespmem:v7+s19+$0x0], $0xffff  }
0xd6: {  	v6 =	vor.u32 $0x10, v3  }
0xd7: {  	v7 =	vor.u32 $0xD, v4;
	_ =	sdelay $0x3  }
0xd8: {  	[tilespmem:v6+s24+$0x0] =	vst.idx.msk $0xffff, v5  }
0xd9: {  	v5 =	vld.idx.msk [tilespmem:v7+s19+$0x0], $0xffff  }
0xda: {  	v6 =	vor.u32 $0x11, v3  }
0xdb: {  	v7 =	vor.u32 $0xE, v4;
	_ =	sdelay $0x3  }
0xdc: {  	[tilespmem:v6+s24+$0x0] =	vst.idx.msk $0xffff, v5  }
0xdd: {  	v5 =	vld.idx.msk [tilespmem:v7+s19+$0x0], $0xffff  }
0xde: {  	v6 =	vor.u32 $0x12, v3  }
0xdf: {  	v7 =	vor.u32 $0xF, v4;
	_ =	sdelay $0x3  }
0xe0: {  	[tilespmem:v6+s24+$0x0] =	vst.idx.msk $0xffff, v5  }
0xe1: {  	v5 =	vld.idx.msk [tilespmem:v7+s19+$0x0], $0xffff  }
0xe2: {  	v6 =	vor.u32 $0x13, v3  }
0xe3: {  	v7 =	vor.u32 $0x10, v4;
	_ =	sdelay $0x3  }
0xe4: {  	[tilespmem:v6+s24+$0x0] =	vst.idx.msk $0xffff, v5  }
0xe5: {  	v5 =	vld.idx.msk [tilespmem:v7+s19+$0x0], $0xffff  }
0xe6: {  	v6 =	vor.u32 $0x14, v3  }
0xe7: {  	v7 =	vor.u32 $0x11, v4;
	_ =	sdelay $0x3  }
0xe8: {  	[tilespmem:v6+s24+$0x0] =	vst.idx.msk $0xffff, v5  }
0xe9: {  	v5 =	vld.idx.msk [tilespmem:v7+s19+$0x0], $0xffff  }
0xea: {  	v6 =	vor.u32 $0x15, v3  }
0xeb: {  	v7 =	vor.u32 $0x12, v4;
	_ =	sdelay $0x3  }
0xec: {  	[tilespmem:v6+s24+$0x0] =	vst.idx.msk $0xffff, v5  }
0xed: {  	v5 =	vld.idx.msk [tilespmem:v7+s19+$0x0], $0xffff  }
0xee: {  	v6 =	vor.u32 $0x16, v3  }
0xef: {  	v7 =	vor.u32 $0x13, v4;
	_ =	sdelay $0x3  }
0xf0: {  	[tilespmem:v6+s24+$0x0] =	vst.idx.msk $0xffff, v5  }
0xf1: {  	v5 =	vld.idx.msk [tilespmem:v7+s19+$0x0], $0xffff  }
0xf2: {  	v6 =	vor.u32 $0x17, v3  }
0xf3: {  	v4 =	vor.u32 $0x14, v4;
	_ =	sdelay $0x1  }
.Ltmp1:
0xf4: {  	(pc) =	sbr.rel @p0 .LBB2_4-.Ltmp1, $4  }
0xf5: {  	_ = 	snop  }
0xf6: {  	[tilespmem:v6+s24+$0x0] =	vst.idx.msk $0xffff, v5  }
0xf7: {  	v6 =	vld.idx.msk [tilespmem:v4+s19+$0x0], $0xffff  }
0xf8: {  	v3 =	vor.u32 $0x18, v3;
	v5 =	vor.u32 s28, v0;
	s28 =	sadd.s32 $0x10, s28  }
0xf9: {  	v4 =	vshll.u32 v5, $0x7;
	_ =	sdelay $0x3  }
0xfa: {  	[tilespmem:v3+s24+$0x0] =	vst.idx.msk $0xffff, v6;
	v3 =	vshll.u32 v5, $0x5  }
0xfb: {  	v26 =	vor.u32 $0x4, v3;
	v25 =	vld.idx.msk [tilespmem:v4+s19+$0x0], $0xffff  }
0xfc: {  	v7 =	vor.u32 $0x1, v4;
	_ =	sdelay $0x3  }
0xfd: {  	[tilespmem:v26+s24+$0x0] =	vst.idx.msk $0xffff, v25  }
0xfe: {  	v27 =	vor.u32 $0x5, v3;
	v5 =	vld.idx.msk [tilespmem:v7+s19+$0x0], $0xffff  }
0xff: {  	v28 =	vor.u32 $0x2, v4;
	_ =	sdelay $0x3  }
0x100: {  	[tilespmem:v27+s24+$0x0] =	vst.idx.msk $0xffff, v5  }
0x101: {  	v29 =	vor.u32 $0x6, v3;
	v5 =	vld.idx.msk [tilespmem:v28+s19+$0x0], $0xffff  }
0x102: {  	v30 =	vor.u32 $0x3, v4;
	_ =	sdelay $0x3  }
0x103: {  	[tilespmem:v29+s24+$0x0] =	vst.idx.msk $0xffff, v5  }
0x104: {  	v31 =	vor.u32 $0x7, v3;
	v5 =	vld.idx.msk [tilespmem:v30+s19+$0x0], $0xffff  }
0x105: {  	v32 =	vor.u32 $0x4, v4;
	_ =	sdelay $0x3  }
0x106: {  	[tilespmem:v31+s24+$0x0] =	vst.idx.msk $0xffff, v5  }
0x107: {  	v33 =	vor.u32 $0x8, v3;
	v5 =	vld.idx.msk [tilespmem:v32+s19+$0x0], $0xffff  }
0x108: {  	v34 =	vor.u32 $0x5, v4;
	_ =	sdelay $0x3  }
0x109: {  	[tilespmem:v33+s24+$0x0] =	vst.idx.msk $0xffff, v5  }
0x10a: {  	v35 =	vor.u32 $0x9, v3;
	v5 =	vld.idx.msk [tilespmem:v34+s19+$0x0], $0xffff  }
0x10b: {  	v36 =	vor.u32 $0x6, v4;
	_ =	sdelay $0x3  }
0x10c: {  	[tilespmem:v35+s24+$0x0] =	vst.idx.msk $0xffff, v5  }
0x10d: {  	v37 =	vor.u32 $0xA, v3;
	v5 =	vld.idx.msk [tilespmem:v36+s19+$0x0], $0xffff  }
0x10e: {  	v38 =	vor.u32 $0x7, v4;
	_ =	sdelay $0x3  }
0x10f: {  	[tilespmem:v37+s24+$0x0] =	vst.idx.msk $0xffff, v5  }
0x110: {  	v39 =	vor.u32 $0xB, v3;
	v5 =	vld.idx.msk [tilespmem:v38+s19+$0x0], $0xffff  }
0x111: {  	v40 =	vor.u32 $0x8, v4;
	_ =	sdelay $0x3  }
0x112: {  	[tilespmem:v39+s24+$0x0] =	vst.idx.msk $0xffff, v5  }
0x113: {  	v41 =	vor.u32 $0xC, v3;
	v5 =	vld.idx.msk [tilespmem:v40+s19+$0x0], $0xffff  }
0x114: {  	v42 =	vor.u32 $0x9, v4;
	_ =	sdelay $0x3  }
0x115: {  	[tilespmem:v41+s24+$0x0] =	vst.idx.msk $0xffff, v5  }
0x116: {  	v43 =	vor.u32 $0xD, v3;
	v5 =	vld.idx.msk [tilespmem:v42+s19+$0x0], $0xffff  }
0x117: {  	v44 =	vor.u32 $0xA, v4;
	_ =	sdelay $0x3  }
0x118: {  	[tilespmem:v43+s24+$0x0] =	vst.idx.msk $0xffff, v5  }
0x119: {  	v45 =	vor.u32 $0xE, v3;
	v5 =	vld.idx.msk [tilespmem:v44+s19+$0x0], $0xffff  }
0x11a: {  	v46 =	vor.u32 $0xB, v4;
	_ =	sdelay $0x3  }
0x11b: {  	[tilespmem:v45+s24+$0x0] =	vst.idx.msk $0xffff, v5  }
0x11c: {  	v47 =	vor.u32 $0xF, v3;
	v5 =	vld.idx.msk [tilespmem:v46+s19+$0x0], $0xffff  }
0x11d: {  	v48 =	vor.u32 $0xC, v4;
	_ =	sdelay $0x3  }
0x11e: {  	[tilespmem:v47+s24+$0x0] =	vst.idx.msk $0xffff, v5  }
0x11f: {  	v49 =	vor.u32 $0x10, v3;
	v5 =	vld.idx.msk [tilespmem:v48+s19+$0x0], $0xffff  }
0x120: {  	v50 =	vor.u32 $0xD, v4;
	_ =	sdelay $0x3  }
0x121: {  	[tilespmem:v49+s24+$0x0] =	vst.idx.msk $0xffff, v5  }
0x122: {  	v51 =	vor.u32 $0x11, v3;
	v5 =	vld.idx.msk [tilespmem:v50+s19+$0x0], $0xffff  }
0x123: {  	v52 =	vor.u32 $0xE, v4;
	_ =	sdelay $0x3  }
0x124: {  	[tilespmem:v51+s24+$0x0] =	vst.idx.msk $0xffff, v5  }
0x125: {  	v53 =	vor.u32 $0x12, v3;
	v5 =	vld.idx.msk [tilespmem:v52+s19+$0x0], $0xffff  }
0x126: {  	v54 =	vor.u32 $0xF, v4;
	_ =	sdelay $0x3  }
0x127: {  	[tilespmem:v53+s24+$0x0] =	vst.idx.msk $0xffff, v5  }
0x128: {  	v55 =	vor.u32 $0x13, v3;
	v5 =	vld.idx.msk [tilespmem:v54+s19+$0x0], $0xffff  }
0x129: {  	v56 =	vor.u32 $0x10, v4;
	_ =	sdelay $0x3  }
0x12a: {  	[tilespmem:v55+s24+$0x0] =	vst.idx.msk $0xffff, v5  }
0x12b: {  	v57 =	vor.u32 $0x14, v3;
	v5 =	vld.idx.msk [tilespmem:v56+s19+$0x0], $0xffff  }
0x12c: {  	v58 =	vor.u32 $0x11, v4;
	_ =	sdelay $0x3  }
0x12d: {  	[tilespmem:v57+s24+$0x0] =	vst.idx.msk $0xffff, v5  }
0x12e: {  	v59 =	vor.u32 $0x15, v3;
	v5 =	vld.idx.msk [tilespmem:v58+s19+$0x0], $0xffff  }
0x12f: {  	v60 =	vor.u32 $0x12, v4;
	_ =	sdelay $0x3  }
0x130: {  	[tilespmem:v59+s24+$0x0] =	vst.idx.msk $0xffff, v5  }
0x131: {  	v61 =	vor.u32 $0x16, v3;
	v5 =	vld.idx.msk [tilespmem:v60+s19+$0x0], $0xffff  }
0x132: {  	v62 =	vor.u32 $0x13, v4;
	_ =	sdelay $0x3  }
0x133: {  	[tilespmem:v61+s24+$0x0] =	vst.idx.msk $0xffff, v5  }
0x134: {  	v63 =	vor.u32 $0x17, v3;
	v5 =	vld.idx.msk [tilespmem:v62+s19+$0x0], $0xffff  }
0x135: {  	v4 =	vor.u32 $0x14, v4;
	_ =	sdelay $0x3  }
0x136: {  	[tilespmem:v63+s24+$0x0] =	vst.idx.msk $0xffff, v5  }
0x137: {  	v3 =	vor.u32 $0x18, v3;
	v4 =	vld.idx.msk [tilespmem:v4+s19+$0x0], $0xffff;
	_ =	sdelay $0x2  }
0x138: {  	s26 =	sadd.s32 $0x1, s26  }
0x139: {  	p0 =	sne.s32 s26, s14  }
.Ltmp2:
0x13a: {  	[tilespmem:v3+s24+$0x0] =	vst.idx.msk $0xffff, v4;
	(pc) =	sbr.rel @p0 .LBB2_1-.Ltmp2, $4  }
0x13b: {  	[hbm4b:s13+s2] =	stream.linear.scatter [tilespmem:s24], [sflag:$0x2], $0x4000, $0x38;
	[tilespmem:$0x18A10] =	vst v63  }
0x13c: {  	_ =	swait.ge [sflag:s16], $0x4000  }
0x13d: {  	[sflag:s16] =	ssyncset.done $0x0  }
0x13e: {  	[sflag:s16] =	ssyncadd.s32 $0xFFFFC000  }
0x13f: {  	_ =	sfence.sel $0x180000  }
0x140: {  	[bflag:$0x0] =	sbarrier.arrive $0xFFFF  }
0x141: {  	p0 =	sne.s32 s0, $0x0;
	_ =	strace $0x90000047  }
0x142: {  	s0 =	sadd.s32 @!p0 $0x100000, s1;
	[bflag:$0x2] =	sbarrier.arrive $0xFFFF  }
0x143: {  	[sflag:s0] =	ssyncadd.tile.s32 @!p0 $0x1;
	_ =	shalt  }
.Lfunc_end2:
_tile_overlayer_lowered:
.L_overlay_start_2:
0x144: {  	(tag) =	ssettag $0x2  }
0x145: {  	s0 =	rddreg [dreg:$0x0];
	s2 =	stileid.u32  }
0x146: {  	s1 =	rddreg [dreg:$0x1];
	p0 =	sne.s32 s2, $0x0  }
0x147: {  	s3 =	rddreg [dreg:$0x2];
	[bflag:$0x3] =	sbarrier.arrive $0xFFFF;
	s2 =	simm.s32 @!p0 $0x1C02  }
0x148: {  	[timem:s3], [sflag:s2] =	dma.local @!p0 [hbm:s0], s1  }
0x149: {  	s0 =	simm.s32 @!p0 $0x2  }
0x14a: {  	_ =	swait.ge @!p0 [sflag:s0], s1  }
0x14b: {  	s1 =	ssub.s32 @!p0 $0x0, s1;
	[sflag:s0] =	ssyncset.done @!p0 $0x0  }
0x14c: {  	[sflag:s0] =	ssyncadd.s32 @!p0 s1  }
0x14d: {  	[bflag:$0x3] =	sbarrier.arrive $0xFFFF  }
0x14e: {  	_ =	shalt  }

</sc_bundles>
